<compile_context>
chip_gen: v7x
topology: tpu7x:2x2x1
jax: 0.10.2.dev20260603
libtpu: 0.0.44.dev20260713+nightly
codegen_flags: <defaults>
</compile_context>

<pallas_src>
import functools

import jax
import jax.numpy as jnp
from jax import lax
from jax.experimental import pallas as pl
from jax.experimental.pallas import tpu as pltpu
from jax.experimental.pallas import tpu_sc as plsc

V = 8192
D = 8192
NTOK = 8192

NC, NS = 2, 16
NW = NC * NS
TPW = NTOK // NW
CH = 4
NB = 2
NCH = TPW // CH
NG = NCH // NB

_MESH = dict(core_axis_name="c", subcore_axis_name="s", num_cores=NC,
             num_subcores=NS)


def _gather_rows(table, idx3, tgt2):
    mesh = plsc.VectorSubcoreMesh(**_MESH)

    @functools.partial(
        pl.kernel, mesh=mesh,
        out_type=(
            jax.ShapeDtypeStruct((NTOK, D), jnp.float32),
            jax.ShapeDtypeStruct((NW, 16), jnp.float32),
        ),
        scratch_types=[
            pltpu.VMEM((NCH, CH), jnp.int32),
            pltpu.VMEM((TPW + 16,), jnp.int32),
            [pltpu.VMEM((CH, D), jnp.float32) for _ in range(NB)],
            pltpu.VMEM((16,), jnp.float32),
            [pltpu.SemaphoreType.DMA for _ in range(NB)],
        ],
    )
    def k(table_hbm, idx_hbm, tgt_hbm, out_hbm, picked_hbm,
          idx_v, tgt_v, bufs, acc_v, gsems):
        wid = lax.axis_index("s") * NC + lax.axis_index("c")
        base = wid * TPW
        pltpu.sync_copy(idx_hbm.at[wid], idx_v)
        pltpu.sync_copy(tgt_hbm.at[wid], tgt_v.at[pl.ds(0, TPW)])

        lanes = lax.iota(jnp.int32, 16)

        def start_g(c, s):
            pltpu.async_copy(table_hbm.at[idx_v.at[c]], bufs[s], gsems[s])

        def wait_g(s):
            pltpu.make_async_copy(table_hbm.at[idx_v.at[0]], bufs[s],
                                  gsems[s]).wait()

        def put(c, s):
            pltpu.sync_copy(bufs[s], out_hbm.at[pl.ds(base + c * CH, CH)])

        def pick_one(s, j, t_reg):
            t = t_reg[CH * s + j]
            start16 = pl.multiple_of(jnp.bitwise_and(t, D - 16), 16)
            lane = jnp.bitwise_and(t, 15)
            v = bufs[s][j, pl.ds(start16, 16)]
            return jnp.where(lanes == lane, v, 0.0)

        acc_v[...] = jnp.zeros((16,), jnp.float32)
        for s in range(NB):
            start_g(s, s)

        def group(g, carry):
            c0 = NB * g
            t_reg = tgt_v[pl.ds(NB * CH * g, 16)]

            wait_g(0)
            acc_v[...] = acc_v[...] + sum(
                pick_one(0, j, t_reg) for j in range(CH))
            put(c0, 0)

            @pl.when(g < NG - 1)
            def _():
                start_g(c0 + NB, 0)

            wait_g(1)
            acc_v[...] = acc_v[...] + sum(
                pick_one(1, j, t_reg) for j in range(CH))
            put(c0 + 1, 1)

            @pl.when(g < NG - 1)
            def _():
                start_g(c0 + NB + 1, 1)
            return carry

        lax.fori_loop(0, NG, group, 0)
        pltpu.sync_copy(acc_v, picked_hbm.at[wid])

    return k(table, idx3, tgt2)


def _row_lse(table):
    R = 256

    def body(x_ref, o_ref):
        x = x_ref[...]
        m = jnp.max(x, axis=1, keepdims=True)
        s = jnp.sum(jnp.exp(x - m), axis=1, keepdims=True)
        o_ref[...] = (m[:, 0] + jnp.log(s[:, 0]))[None, None, :]

    return pl.pallas_call(
        body,
        grid=(V // R,),
        in_specs=[pl.BlockSpec((R, D), lambda i: (i, 0))],
        out_specs=pl.BlockSpec((1, 1, R), lambda i: (i, 0, 0)),
        out_shape=jax.ShapeDtypeStruct((V // R, 1, R), jnp.float32),
    )(table)


def _lse_partials(idx2, lse):
    mesh = plsc.VectorSubcoreMesh(**_MESH)

    @functools.partial(
        pl.kernel, mesh=mesh,
        out_type=jax.ShapeDtypeStruct((NW, 16), jnp.float32),
        scratch_types=[
            pltpu.VMEM((TPW,), jnp.int32),
            pltpu.VMEM((TPW,), jnp.float32),
            pltpu.VMEM((16,), jnp.float32),
            pltpu.SemaphoreType.DMA,
        ],
    )
    def k(idx_hbm, lse_hbm, out_hbm, idx_v, lsetok_v, acc_v, sem):
        wid = lax.axis_index("s") * NC + lax.axis_index("c")
        pltpu.sync_copy(idx_hbm.at[wid], idx_v)
        for h in range(TPW // 128):
            hs = pl.ds(h * 128, 128)
            pltpu.async_copy(lse_hbm.at[idx_v.at[hs]], lsetok_v.at[hs],
                             sem).wait()
        acc = jnp.zeros((16,), jnp.float32)
        for kk in range(TPW // 16):
            acc = acc + lsetok_v[pl.ds(kk * 16, 16)]
        acc_v[...] = acc
        pltpu.sync_copy(acc_v, out_hbm.at[wid])

    return k(idx2, lse)


def _finalize(lse_parts, picked_parts):

    def body(a_ref, b_ref, o_ref):
        o_ref[...] = ((jnp.sum(a_ref[...]) - jnp.sum(b_ref[...]))
                      * (1.0 / NTOK))[None, None]

    return pl.pallas_call(
        body,
        out_shape=jax.ShapeDtypeStruct((1, 1), jnp.float32),
    )(lse_parts, picked_parts)


def kernel(table, idx, targets):
    idx_i = idx.reshape(-1).astype(jnp.int32)
    tgt_i = targets.reshape(-1).astype(jnp.int32)
    idx3 = idx_i.reshape(NW, NCH, CH)
    idx2 = idx_i.reshape(NW, TPW)
    tgt2 = tgt_i.reshape(NW, TPW)

    logits2, picked_parts = _gather_rows(table, idx3, tgt2)
    lse = _row_lse(table).reshape(-1)
    lse_parts = _lse_partials(idx2, lse)
    loss = _finalize(lse_parts, picked_parts).reshape(())
    return (logits2, loss)

# --- scband reference (transcript-rebuilt; emitter-appended) ---
"""Pipeline reference for scband-bigram-language-model-v1-6236292514363 (READ-ONLY COPY).

The authoritative reference and input builder live on the scoring server;
editing this copy changes nothing except your own understanding.
"""

import jax, jax.numpy as jnp
import numpy as np

VOCAB = 8192
B, T = 8, 1024

def setup_inputs(seed: int = 0) -> dict:
    key = jax.random.key(seed)
    k1, k2, k3 = jax.random.split(key, 3)
    idx = jax.random.randint(k1, (B, T), 0, VOCAB)
    targets = jax.random.randint(k2, (B, T), 0, VOCAB)
    # nn.Embedding(VOCAB, VOCAB) weight table
    table = jax.random.normal(k3, (VOCAB, VOCAB), dtype=jnp.float32) * 0.02
    return {"table": table, "idx": idx, "targets": targets}

def reference(table, idx, targets):
    # logits = self.token_embeddings(idx)  -> gather rows of the VxV table
    logits = jnp.take(table, idx, axis=0)            # [B, T, C]
    Bb, Tt, C = logits.shape
    # targets provided -> compute cross entropy like F.cross_entropy
    logits2 = logits.reshape(Bb * Tt, C)             # [B*T, C]
    t = targets.reshape(Bb * Tt)                     # [B*T]
    logp = jax.nn.log_softmax(logits2, axis=-1)
    nll = -jnp.take_along_axis(logp, t[:, None], axis=1)[:, 0]
    loss = jnp.mean(nll)
    return (logits2, loss)

if __name__ == "__main__":
    import jax
    _d = setup_inputs()
    print(jax.jit(kernel)(*tuple(_d.values())))

</pallas_src>

<mosaic_0001>
#map = affine_map<(d0, d1) -> (0, 0)>
#map1 = affine_map<(d0, d1) -> (0, 0, 0)>
module attributes {stable_mosaic.version = 14 : i64} {
  func.func @k(%arg0: i32, %arg1: i32, %arg2: memref<8192x8192xf32, #tpu.memory_space<hbm>>, %arg3: memref<32x64x4xi32, #tpu.memory_space<hbm>>, %arg4: memref<32x256xi32, #tpu.memory_space<hbm>>, %arg5: memref<8192x8192xf32, #tpu.memory_space<hbm>>, %arg6: memref<32x16xf32, #tpu.memory_space<hbm>>, %arg7: memref<64x4xi32, #tpu.memory_space<vmem>>, %arg8: memref<272xi32, #tpu.memory_space<vmem>>, %arg9: memref<4x8192xf32, #tpu.memory_space<vmem>>, %arg10: memref<4x8192xf32, #tpu.memory_space<vmem>>, %arg11: memref<16xf32, #tpu.memory_space<vmem>>, %arg12: memref<!tpu.dma_semaphore, #tpu.memory_space<semaphore_mem>>, %arg13: memref<!tpu.dma_semaphore, #tpu.memory_space<semaphore_mem>>) attributes {dimension_semantics = [#tpu.dimension_semantics<core_parallel>, #tpu.dimension_semantics<subcore_parallel>], iteration_bounds = array<i64: 2, 16>, scalar_prefetch = 0 : i64, scratch_operands = 7 : i64, tpu.core_type = #tpu.core_type<sc_vector_subcore>, window_params = [{transform_indices = #map}, {transform_indices = #map1}, {transform_indices = #map}, {transform_indices = #map}, {transform_indices = #map}]} {
    %mul3A = arith.constant 2 : i32
    %mul3A_0 = arith.muli %arg1, %mul3A : i32
    %add3A = arith.addi %mul3A_0, %arg0 : i32
    %mul3A_1 = arith.constant 256 : i32
    %mul3A_2 = arith.muli %add3A, %mul3A_1 : i32
    "tpu.region"() ({
      %run_scoped3A = tpu.sem_alloc : memref<!tpu.dma_semaphore, #tpu.memory_space<semaphore_mem>>
      %dma_start3A_25 = arith.constant 0 : i32
      %dma_start3A_26 = arith.constant 0 : i32
      %dma_start3A_27 = tpu.memref_slice %arg3[%add3A, %dma_start3A_25, %dma_start3A_26] : memref<32x64x4xi32, #tpu.memory_space<hbm>> -> memref<1x64x4xi32, #tpu.memory_space<hbm>>
      %dma_start3A_28 = tpu.memref_squeeze %dma_start3A_27 : memref<1x64x4xi32, #tpu.memory_space<hbm>> -> memref<64x4xi32, #tpu.memory_space<hbm>>
      %dma_start3A_29 = arith.constant 0 : i32
      %dma_start3A_30 = arith.constant 0 : i32
      %dma_start3A_31 = tpu.memref_slice %arg3[%add3A, %dma_start3A_29, %dma_start3A_30] : memref<32x64x4xi32, #tpu.memory_space<hbm>> -> memref<1x64x4xi32, #tpu.memory_space<hbm>>
      %dma_start3A_32 = tpu.memref_squeeze %dma_start3A_31 : memref<1x64x4xi32, #tpu.memory_space<hbm>> -> memref<64x4xi32, #tpu.memory_space<hbm>>
      tpu.enqueue_dma source(%dma_start3A_32 : memref<64x4xi32, #tpu.memory_space<hbm>>) target(%arg7 : memref<64x4xi32, #tpu.memory_space<vmem>>) target_semaphore(%run_scoped3A : memref<!tpu.dma_semaphore, #tpu.memory_space<semaphore_mem>>)
      %dma_wait3A = arith.constant 0 : i32
      %dma_wait3A_33 = arith.constant 0 : i32
      %dma_wait3A_34 = tpu.memref_slice %arg3[%add3A, %dma_wait3A, %dma_wait3A_33] : memref<32x64x4xi32, #tpu.memory_space<hbm>> -> memref<1x64x4xi32, #tpu.memory_space<hbm>>
      %dma_wait3A_35 = tpu.memref_squeeze %dma_wait3A_34 : memref<1x64x4xi32, #tpu.memory_space<hbm>> -> memref<64x4xi32, #tpu.memory_space<hbm>>
      %dma_wait3A_36 = arith.constant 0 : i32
      %dma_wait3A_37 = arith.constant 0 : i32
      %dma_wait3A_38 = tpu.memref_slice %arg3[%add3A, %dma_wait3A_36, %dma_wait3A_37] : memref<32x64x4xi32, #tpu.memory_space<hbm>> -> memref<1x64x4xi32, #tpu.memory_space<hbm>>
      %dma_wait3A_39 = tpu.memref_squeeze %dma_wait3A_38 : memref<1x64x4xi32, #tpu.memory_space<hbm>> -> memref<64x4xi32, #tpu.memory_space<hbm>>
      tpu.wait_dma2 semaphore(%run_scoped3A : memref<!tpu.dma_semaphore, #tpu.memory_space<semaphore_mem>>) src(%dma_wait3A_39 : memref<64x4xi32, #tpu.memory_space<hbm>>) dst(%arg7 : memref<64x4xi32, #tpu.memory_space<vmem>>)
      tpu.yield
    }) : () -> ()
    "tpu.region"() ({
      %run_scoped3A = tpu.sem_alloc : memref<!tpu.dma_semaphore, #tpu.memory_space<semaphore_mem>>
      %dma_start3A_25 = arith.constant 0 : i32
      %dma_start3A_26 = tpu.memref_slice %arg8[%dma_start3A_25] : memref<272xi32, #tpu.memory_space<vmem>> -> memref<256xi32, #tpu.memory_space<vmem>>
      %dma_start3A_27 = arith.constant 0 : i32
      %dma_start3A_28 = tpu.memref_slice %arg4[%add3A, %dma_start3A_27] : memref<32x256xi32, #tpu.memory_space<hbm>> -> memref<1x256xi32, #tpu.memory_space<hbm>>
      %dma_start3A_29 = tpu.memref_squeeze %dma_start3A_28 : memref<1x256xi32, #tpu.memory_space<hbm>> -> memref<256xi32, #tpu.memory_space<hbm>>
      %dma_start3A_30 = arith.constant 0 : i32
      %dma_start3A_31 = tpu.memref_slice %arg8[%dma_start3A_30] : memref<272xi32, #tpu.memory_space<vmem>> -> memref<256xi32, #tpu.memory_space<vmem>>
      %dma_start3A_32 = arith.constant 0 : i32
      %dma_start3A_33 = tpu.memref_slice %arg4[%add3A, %dma_start3A_32] : memref<32x256xi32, #tpu.memory_space<hbm>> -> memref<1x256xi32, #tpu.memory_space<hbm>>
      %dma_start3A_34 = tpu.memref_squeeze %dma_start3A_33 : memref<1x256xi32, #tpu.memory_space<hbm>> -> memref<256xi32, #tpu.memory_space<hbm>>
      tpu.enqueue_dma source(%dma_start3A_34 : memref<256xi32, #tpu.memory_space<hbm>>) target(%dma_start3A_31 : memref<256xi32, #tpu.memory_space<vmem>>) target_semaphore(%run_scoped3A : memref<!tpu.dma_semaphore, #tpu.memory_space<semaphore_mem>>)
      %dma_wait3A = arith.constant 0 : i32
      %dma_wait3A_35 = tpu.memref_slice %arg8[%dma_wait3A] : memref<272xi32, #tpu.memory_space<vmem>> -> memref<256xi32, #tpu.memory_space<vmem>>
      %dma_wait3A_36 = arith.constant 0 : i32
      %dma_wait3A_37 = tpu.memref_slice %arg4[%add3A, %dma_wait3A_36] : memref<32x256xi32, #tpu.memory_space<hbm>> -> memref<1x256xi32, #tpu.memory_space<hbm>>
      %dma_wait3A_38 = tpu.memref_squeeze %dma_wait3A_37 : memref<1x256xi32, #tpu.memory_space<hbm>> -> memref<256xi32, #tpu.memory_space<hbm>>
      %dma_wait3A_39 = arith.constant 0 : i32
      %dma_wait3A_40 = tpu.memref_slice %arg8[%dma_wait3A_39] : memref<272xi32, #tpu.memory_space<vmem>> -> memref<256xi32, #tpu.memory_space<vmem>>
      %dma_wait3A_41 = arith.constant 0 : i32
      %dma_wait3A_42 = tpu.memref_slice %arg4[%add3A, %dma_wait3A_41] : memref<32x256xi32, #tpu.memory_space<hbm>> -> memref<1x256xi32, #tpu.memory_space<hbm>>
      %dma_wait3A_43 = tpu.memref_squeeze %dma_wait3A_42 : memref<1x256xi32, #tpu.memory_space<hbm>> -> memref<256xi32, #tpu.memory_space<hbm>>
      tpu.wait_dma2 semaphore(%run_scoped3A : memref<!tpu.dma_semaphore, #tpu.memory_space<semaphore_mem>>) src(%dma_wait3A_43 : memref<256xi32, #tpu.memory_space<hbm>>) dst(%dma_wait3A_40 : memref<256xi32, #tpu.memory_space<vmem>>)
      tpu.yield
    }) : () -> ()
    %iota3A = tpu.iota {dimensions = array<i32: 0>} : vector<16xi32>
    %broadcast_in_dim3A = arith.constant 0.000000e+00 : f32
    %broadcast_in_dim3A_3 = vector.broadcast %broadcast_in_dim3A : f32 to vector<16xf32>
    %swap3A = arith.constant 0 : index
    %swap3A_4 = tpu.vector_load %arg11[%swap3A] {strides = array<i32>} : memref<16xf32, #tpu.memory_space<vmem>>, vector<16xf32>,
    %swap3A_5 = vector.shape_cast %swap3A_4 : vector<16xf32> to vector<16xf32>
    %swap3A_6 = vector.shape_cast %broadcast_in_dim3A_3 : vector<16xf32> to vector<16xf32>
    tpu.vector_store %arg11[%swap3A], %swap3A_6 {strides = array<i32>} : memref<16xf32, #tpu.memory_space<vmem>>, vector<16xf32>,
    %dma_start3A = arith.constant 0 : i32
    %dma_start3A_7 = arith.constant 0 : i32
    %dma_start3A_8 = tpu.memref_slice %arg7[%dma_start3A, %dma_start3A_7] : memref<64x4xi32, #tpu.memory_space<vmem>> -> memref<1x4xi32, #tpu.memory_space<vmem>>
    %dma_start3A_9 = tpu.memref_squeeze %dma_start3A_8 : memref<1x4xi32, #tpu.memory_space<vmem>> -> memref<4xi32, #tpu.memory_space<vmem>>
    %dma_start3A_10 = arith.constant 0 : i32
    %dma_start3A_11 = arith.constant 0 : i32
    %dma_start3A_12 = tpu.memref_slice %arg2[%dma_start3A_10, %dma_start3A_11] : memref<8192x8192xf32, #tpu.memory_space<hbm>> -> memref<8192x8192xf32, #tpu.memory_space<hbm>>
    tpu.enqueue_indirect_dma source(%dma_start3A_12 : memref<8192x8192xf32, #tpu.memory_space<hbm>>) target(%arg9 : memref<4x8192xf32, #tpu.memory_space<vmem>>) offsets(%dma_start3A_9 : memref<4xi32, #tpu.memory_space<vmem>>) semaphore(%arg12 : memref<!tpu.dma_semaphore, #tpu.memory_space<semaphore_mem>>)
    %dma_start3A_13 = arith.constant 1 : i32
    %dma_start3A_14 = arith.constant 0 : i32
    %dma_start3A_15 = tpu.memref_slice %arg7[%dma_start3A_13, %dma_start3A_14] : memref<64x4xi32, #tpu.memory_space<vmem>> -> memref<1x4xi32, #tpu.memory_space<vmem>>
    %dma_start3A_16 = tpu.memref_squeeze %dma_start3A_15 : memref<1x4xi32, #tpu.memory_space<vmem>> -> memref<4xi32, #tpu.memory_space<vmem>>
    %dma_start3A_17 = arith.constant 0 : i32
    %dma_start3A_18 = arith.constant 0 : i32
    %dma_start3A_19 = tpu.memref_slice %arg2[%dma_start3A_17, %dma_start3A_18] : memref<8192x8192xf32, #tpu.memory_space<hbm>> -> memref<8192x8192xf32, #tpu.memory_space<hbm>>
    tpu.enqueue_indirect_dma source(%dma_start3A_19 : memref<8192x8192xf32, #tpu.memory_space<hbm>>) target(%arg10 : memref<4x8192xf32, #tpu.memory_space<vmem>>) offsets(%dma_start3A_16 : memref<4xi32, #tpu.memory_space<vmem>>) semaphore(%arg13 : memref<!tpu.dma_semaphore, #tpu.memory_space<semaphore_mem>>)
    %scan3A = arith.constant 0 : i32
    %scan3A_20 = arith.constant 0 : i32
    %scan3A_21 = arith.constant 32 : i32
    %scan3A_22 = arith.addi %scan3A_20, %scan3A_21 : i32
    %scan3A_23 = arith.constant 1 : i32
    scf.for %scan3A_25 = %scan3A_20 to %scan3A_22 step %scan3A_23  : i32 {
      %mul3A_26 = arith.constant 2 : i32
      %mul3A_27 = arith.muli %mul3A_26, %scan3A_25 : i32
      %mul3A_28 = arith.constant 8 : i32
      %mul3A_29 = arith.muli %mul3A_28, %scan3A_25 : i32
      %get3A = arith.index_cast %mul3A_29 : i32 to index
      %get3A_30 = tpu.vector_load %arg8[%get3A] {strides = array<i32>} : memref<272xi32, #tpu.memory_space<vmem>>, vector<16xi32>,
      %get3A_31 = vector.shape_cast %get3A_30 : vector<16xi32> to vector<16xi32>
      %dma_wait3A = arith.constant 0 : i32
      %dma_wait3A_32 = arith.constant 0 : i32
      %dma_wait3A_33 = tpu.memref_slice %arg7[%dma_wait3A, %dma_wait3A_32] : memref<64x4xi32, #tpu.memory_space<vmem>> -> memref<1x4xi32, #tpu.memory_space<vmem>>
      %dma_wait3A_34 = tpu.memref_squeeze %dma_wait3A_33 : memref<1x4xi32, #tpu.memory_space<vmem>> -> memref<4xi32, #tpu.memory_space<vmem>>
      %dma_wait3A_35 = arith.constant 0 : i32
      %dma_wait3A_36 = arith.constant 0 : i32
      %dma_wait3A_37 = tpu.memref_slice %arg2[%dma_wait3A_35, %dma_wait3A_36] : memref<8192x8192xf32, #tpu.memory_space<hbm>> -> memref<8192x8192xf32, #tpu.memory_space<hbm>>
      tpu.wait_indirect_dma semaphore(%arg12 : memref<!tpu.dma_semaphore, #tpu.memory_space<semaphore_mem>>) src(%dma_wait3A_37 : memref<8192x8192xf32, #tpu.memory_space<hbm>>) dst(%arg9 : memref<4x8192xf32, #tpu.memory_space<vmem>>)
      %get3A_38 = arith.constant 0 : index
      %get3A_39 = tpu.vector_load %arg11[%get3A_38] {strides = array<i32>} : memref<16xf32, #tpu.memory_space<vmem>>, vector<16xf32>,
      %get3A_40 = vector.shape_cast %get3A_39 : vector<16xf32> to vector<16xf32>
      %slice3A = vector.extract_strided_slice %get3A_31 {offsets = [0], sizes = [1], strides = [1]} : vector<16xi32> to vector<1xi32>
      %squeeze3A = vector.extract %slice3A[0] : i32 from vector<1xi32>
      %and3A = arith.constant 8176 : i32
      %and3A_41 = arith.andi %squeeze3A, %and3A : i32
      %multiple_of3A = tpu.assume_multiple %and3A_41, 16 : i32
      %and3A_42 = arith.constant 15 : i32
      %and3A_43 = arith.andi %squeeze3A, %and3A_42 : i32
      %get3A_44 = arith.constant 0 : i32
      %get3A_45 = arith.index_cast %get3A_44 : i32 to index
      %get3A_46 = arith.index_cast %multiple_of3A : i32 to index
      %get3A_47 = tpu.vector_load %arg9[%get3A_45, %get3A_46] {strides = array<i32>} : memref<4x8192xf32, #tpu.memory_space<vmem>>, vector<1x16xf32>,
      %get3A_48 = vector.shape_cast %get3A_47 : vector<1x16xf32> to vector<16xf32>
      %eq3A = vector.broadcast %and3A_43 : i32 to vector<16xi32>
      %eq3A_49 = arith.cmpi eq, %iota3A, %eq3A : vector<16xi32>
      %jit3A = arith.constant 0.000000e+00 : f32
      %broadcast_in_dim3A_50 = vector.broadcast %jit3A : f32 to vector<16xf32>
      %select_n3A = arith.select %eq3A_49, %get3A_48, %broadcast_in_dim3A_50 : vector<16xi1>, vector<16xf32>
      %add3A_51 = arith.constant 0.000000e+00 : f32
      %add3A_52 = vector.broadcast %add3A_51 : f32 to vector<16xf32>
      %add3A_53 = arith.addf %add3A_52, %select_n3A : vector<16xf32>
      %slice3A_54 = vector.extract_strided_slice %get3A_31 {offsets = [1], sizes = [1], strides = [1]} : vector<16xi32> to vector<1xi32>
      %squeeze3A_55 = vector.extract %slice3A_54[0] : i32 from vector<1xi32>
      %and3A_56 = arith.constant 8176 : i32
      %and3A_57 = arith.andi %squeeze3A_55, %and3A_56 : i32
      %multiple_of3A_58 = tpu.assume_multiple %and3A_57, 16 : i32
      %and3A_59 = arith.constant 15 : i32
      %and3A_60 = arith.andi %squeeze3A_55, %and3A_59 : i32
      %get3A_61 = arith.constant 1 : i32
      %get3A_62 = arith.index_cast %get3A_61 : i32 to index
      %get3A_63 = arith.index_cast %multiple_of3A_58 : i32 to index
      %get3A_64 = tpu.vector_load %arg9[%get3A_62, %get3A_63] {strides = array<i32>} : memref<4x8192xf32, #tpu.memory_space<vmem>>, vector<1x16xf32>,
      %get3A_65 = vector.shape_cast %get3A_64 : vector<1x16xf32> to vector<16xf32>
      %eq3A_66 = vector.broadcast %and3A_60 : i32 to vector<16xi32>
      %eq3A_67 = arith.cmpi eq, %iota3A, %eq3A_66 : vector<16xi32>
      %jit3A_68 = arith.constant 0.000000e+00 : f32
      %broadcast_in_dim3A_69 = vector.broadcast %jit3A_68 : f32 to vector<16xf32>
      %select_n3A_70 = arith.select %eq3A_67, %get3A_65, %broadcast_in_dim3A_69 : vector<16xi1>, vector<16xf32>
      %add3A_71 = arith.addf %add3A_53, %select_n3A_70 : vector<16xf32>
      %slice3A_72 = vector.extract_strided_slice %get3A_31 {offsets = [2], sizes = [1], strides = [1]} : vector<16xi32> to vector<1xi32>
      %squeeze3A_73 = vector.extract %slice3A_72[0] : i32 from vector<1xi32>
      %and3A_74 = arith.constant 8176 : i32
      %and3A_75 = arith.andi %squeeze3A_73, %and3A_74 : i32
      %multiple_of3A_76 = tpu.assume_multiple %and3A_75, 16 : i32
      %and3A_77 = arith.constant 15 : i32
      %and3A_78 = arith.andi %squeeze3A_73, %and3A_77 : i32
      %get3A_79 = arith.constant 2 : i32
      %get3A_80 = arith.index_cast %get3A_79 : i32 to index
      %get3A_81 = arith.index_cast %multiple_of3A_76 : i32 to index
      %get3A_82 = tpu.vector_load %arg9[%get3A_80, %get3A_81] {strides = array<i32>} : memref<4x8192xf32, #tpu.memory_space<vmem>>, vector<1x16xf32>,
      %get3A_83 = vector.shape_cast %get3A_82 : vector<1x16xf32> to vector<16xf32>
      %eq3A_84 = vector.broadcast %and3A_78 : i32 to vector<16xi32>
      %eq3A_85 = arith.cmpi eq, %iota3A, %eq3A_84 : vector<16xi32>
      %jit3A_86 = arith.constant 0.000000e+00 : f32
      %broadcast_in_dim3A_87 = vector.broadcast %jit3A_86 : f32 to vector<16xf32>
      %select_n3A_88 = arith.select %eq3A_85, %get3A_83, %broadcast_in_dim3A_87 : vector<16xi1>, vector<16xf32>
      %add3A_89 = arith.addf %add3A_71, %select_n3A_88 : vector<16xf32>
      %slice3A_90 = vector.extract_strided_slice %get3A_31 {offsets = [3], sizes = [1], strides = [1]} : vector<16xi32> to vector<1xi32>
      %squeeze3A_91 = vector.extract %slice3A_90[0] : i32 from vector<1xi32>
      %and3A_92 = arith.constant 8176 : i32
      %and3A_93 = arith.andi %squeeze3A_91, %and3A_92 : i32
      %multiple_of3A_94 = tpu.assume_multiple %and3A_93, 16 : i32
      %and3A_95 = arith.constant 15 : i32
      %and3A_96 = arith.andi %squeeze3A_91, %and3A_95 : i32
      %get3A_97 = arith.constant 3 : i32
      %get3A_98 = arith.index_cast %get3A_97 : i32 to index
      %get3A_99 = arith.index_cast %multiple_of3A_94 : i32 to index
      %get3A_100 = tpu.vector_load %arg9[%get3A_98, %get3A_99] {strides = array<i32>} : memref<4x8192xf32, #tpu.memory_space<vmem>>, vector<1x16xf32>,
      %get3A_101 = vector.shape_cast %get3A_100 : vector<1x16xf32> to vector<16xf32>
      %eq3A_102 = vector.broadcast %and3A_96 : i32 to vector<16xi32>
      %eq3A_103 = arith.cmpi eq, %iota3A, %eq3A_102 : vector<16xi32>
      %jit3A_104 = arith.constant 0.000000e+00 : f32
      %broadcast_in_dim3A_105 = vector.broadcast %jit3A_104 : f32 to vector<16xf32>
      %select_n3A_106 = arith.select %eq3A_103, %get3A_101, %broadcast_in_dim3A_105 : vector<16xi1>, vector<16xf32>
      %add3A_107 = arith.addf %add3A_89, %select_n3A_106 : vector<16xf32>
      %add3A_108 = arith.addf %get3A_40, %add3A_107 : vector<16xf32>
      %swap3A_109 = arith.constant 0 : index
      %swap3A_110 = tpu.vector_load %arg11[%swap3A_109] {strides = array<i32>} : memref<16xf32, #tpu.memory_space<vmem>>, vector<16xf32>,
      %swap3A_111 = vector.shape_cast %swap3A_110 : vector<16xf32> to vector<16xf32>
      %swap3A_112 = vector.shape_cast %add3A_108 : vector<16xf32> to vector<16xf32>
      tpu.vector_store %arg11[%swap3A_109], %swap3A_112 {strides = array<i32>} : memref<16xf32, #tpu.memory_space<vmem>>, vector<16xf32>,
      %mul3A_113 = arith.constant 4 : i32
      %mul3A_114 = arith.muli %mul3A_27, %mul3A_113 : i32
      %add3A_115 = arith.addi %mul3A_2, %mul3A_114 : i32
      "tpu.region"() ({
        %run_scoped3A = tpu.sem_alloc : memref<!tpu.dma_semaphore, #tpu.memory_space<semaphore_mem>>
        %dma_start3A_217 = arith.constant 0 : i32
        %dma_start3A_218 = tpu.memref_slice %arg5[%add3A_115, %dma_start3A_217] : memref<8192x8192xf32, #tpu.memory_space<hbm>> -> memref<4x8192xf32, #tpu.memory_space<hbm>>
        %dma_start3A_219 = arith.constant 0 : i32
        %dma_start3A_220 = tpu.memref_slice %arg5[%add3A_115, %dma_start3A_219] : memref<8192x8192xf32, #tpu.memory_space<hbm>> -> memref<4x8192xf32, #tpu.memory_space<hbm>>
        tpu.enqueue_dma source(%arg9 : memref<4x8192xf32, #tpu.memory_space<vmem>>) target(%dma_start3A_220 : memref<4x8192xf32, #tpu.memory_space<hbm>>) target_semaphore(%run_scoped3A : memref<!tpu.dma_semaphore, #tpu.memory_space<semaphore_mem>>)
        %dma_wait3A_221 = arith.constant 0 : i32
        %dma_wait3A_222 = tpu.memref_slice %arg5[%add3A_115, %dma_wait3A_221] : memref<8192x8192xf32, #tpu.memory_space<hbm>> -> memref<4x8192xf32, #tpu.memory_space<hbm>>
        %dma_wait3A_223 = arith.constant 0 : i32
        %dma_wait3A_224 = tpu.memref_slice %arg5[%add3A_115, %dma_wait3A_223] : memref<8192x8192xf32, #tpu.memory_space<hbm>> -> memref<4x8192xf32, #tpu.memory_space<hbm>>
        tpu.wait_dma2 semaphore(%run_scoped3A : memref<!tpu.dma_semaphore, #tpu.memory_space<semaphore_mem>>) src(%arg9 : memref<4x8192xf32, #tpu.memory_space<vmem>>) dst(%dma_wait3A_224 : memref<4x8192xf32, #tpu.memory_space<hbm>>)
        tpu.yield
      }) : () -> ()
      %lt3A = arith.constant 31 : i32
      %lt3A_116 = arith.cmpi slt, %scan3A_25, %lt3A : i32
      %convert_element_type3A = arith.extui %lt3A_116 : i1 to i32
      %cond3A = arith.constant 0 : i32
      %cond3A_117 = arith.cmpi ne, %convert_element_type3A, %cond3A : i32
      scf.if %cond3A_117 {
        %add3A_217 = arith.constant 2 : i32
        %add3A_218 = arith.addi %mul3A_27, %add3A_217 : i32
        %dma_start3A_219 = arith.constant 0 : i32
        %dma_start3A_220 = tpu.memref_slice %arg7[%add3A_218, %dma_start3A_219] : memref<64x4xi32, #tpu.memory_space<vmem>> -> memref<1x4xi32, #tpu.memory_space<vmem>>
        %dma_start3A_221 = tpu.memref_squeeze %dma_start3A_220 : memref<1x4xi32, #tpu.memory_space<vmem>> -> memref<4xi32, #tpu.memory_space<vmem>>
        %dma_start3A_222 = arith.constant 0 : i32
        %dma_start3A_223 = arith.constant 0 : i32
        %dma_start3A_224 = tpu.memref_slice %arg2[%dma_start3A_222, %dma_start3A_223] : memref<8192x8192xf32, #tpu.memory_space<hbm>> -> memref<8192x8192xf32, #tpu.memory_space<hbm>>
        tpu.enqueue_indirect_dma source(%dma_start3A_224 : memref<8192x8192xf32, #tpu.memory_space<hbm>>) target(%arg9 : memref<4x8192xf32, #tpu.memory_space<vmem>>) offsets(%dma_start3A_221 : memref<4xi32, #tpu.memory_space<vmem>>) semaphore(%arg12 : memref<!tpu.dma_semaphore, #tpu.memory_space<semaphore_mem>>)
      } else {
      }
      %dma_wait3A_118 = arith.constant 0 : i32
      %dma_wait3A_119 = arith.constant 0 : i32
      %dma_wait3A_120 = tpu.memref_slice %arg7[%dma_wait3A_118, %dma_wait3A_119] : memref<64x4xi32, #tpu.memory_space<vmem>> -> memref<1x4xi32, #tpu.memory_space<vmem>>
      %dma_wait3A_121 = tpu.memref_squeeze %dma_wait3A_120 : memref<1x4xi32, #tpu.memory_space<vmem>> -> memref<4xi32, #tpu.memory_space<vmem>>
      %dma_wait3A_122 = arith.constant 0 : i32
      %dma_wait3A_123 = arith.constant 0 : i32
      %dma_wait3A_124 = tpu.memref_slice %arg2[%dma_wait3A_122, %dma_wait3A_123] : memref<8192x8192xf32, #tpu.memory_space<hbm>> -> memref<8192x8192xf32, #tpu.memory_space<hbm>>
      tpu.wait_indirect_dma semaphore(%arg13 : memref<!tpu.dma_semaphore, #tpu.memory_space<semaphore_mem>>) src(%dma_wait3A_124 : memref<8192x8192xf32, #tpu.memory_space<hbm>>) dst(%arg10 : memref<4x8192xf32, #tpu.memory_space<vmem>>)
      %get3A_125 = arith.constant 0 : index
      %get3A_126 = tpu.vector_load %arg11[%get3A_125] {strides = array<i32>} : memref<16xf32, #tpu.memory_space<vmem>>, vector<16xf32>,
      %get3A_127 = vector.shape_cast %get3A_126 : vector<16xf32> to vector<16xf32>
      %slice3A_128 = vector.extract_strided_slice %get3A_31 {offsets = [4], sizes = [1], strides = [1]} : vector<16xi32> to vector<1xi32>
      %squeeze3A_129 = vector.extract %slice3A_128[0] : i32 from vector<1xi32>
      %and3A_130 = arith.constant 8176 : i32
      %and3A_131 = arith.andi %squeeze3A_129, %and3A_130 : i32
      %multiple_of3A_132 = tpu.assume_multiple %and3A_131, 16 : i32
      %and3A_133 = arith.constant 15 : i32
      %and3A_134 = arith.andi %squeeze3A_129, %and3A_133 : i32
      %get3A_135 = arith.constant 0 : i32
      %get3A_136 = arith.index_cast %get3A_135 : i32 to index
      %get3A_137 = arith.index_cast %multiple_of3A_132 : i32 to index
      %get3A_138 = tpu.vector_load %arg10[%get3A_136, %get3A_137] {strides = array<i32>} : memref<4x8192xf32, #tpu.memory_space<vmem>>, vector<1x16xf32>,
      %get3A_139 = vector.shape_cast %get3A_138 : vector<1x16xf32> to vector<16xf32>
      %eq3A_140 = vector.broadcast %and3A_134 : i32 to vector<16xi32>
      %eq3A_141 = arith.cmpi eq, %iota3A, %eq3A_140 : vector<16xi32>
      %jit3A_142 = arith.constant 0.000000e+00 : f32
      %broadcast_in_dim3A_143 = vector.broadcast %jit3A_142 : f32 to vector<16xf32>
      %select_n3A_144 = arith.select %eq3A_141, %get3A_139, %broadcast_in_dim3A_143 : vector<16xi1>, vector<16xf32>
      %add3A_145 = arith.constant 0.000000e+00 : f32
      %add3A_146 = vector.broadcast %add3A_145 : f32 to vector<16xf32>
      %add3A_147 = arith.addf %add3A_146, %select_n3A_144 : vector<16xf32>
      %slice3A_148 = vector.extract_strided_slice %get3A_31 {offsets = [5], sizes = [1], strides = [1]} : vector<16xi32> to vector<1xi32>
      %squeeze3A_149 = vector.extract %slice3A_148[0] : i32 from vector<1xi32>
      %and3A_150 = arith.constant 8176 : i32
      %and3A_151 = arith.andi %squeeze3A_149, %and3A_150 : i32
      %multiple_of3A_152 = tpu.assume_multiple %and3A_151, 16 : i32
      %and3A_153 = arith.constant 15 : i32
      %and3A_154 = arith.andi %squeeze3A_149, %and3A_153 : i32
      %get3A_155 = arith.constant 1 : i32
      %get3A_156 = arith.index_cast %get3A_155 : i32 to index
      %get3A_157 = arith.index_cast %multiple_of3A_152 : i32 to index
      %get3A_158 = tpu.vector_load %arg10[%get3A_156, %get3A_157] {strides = array<i32>} : memref<4x8192xf32, #tpu.memory_space<vmem>>, vector<1x16xf32>,
      %get3A_159 = vector.shape_cast %get3A_158 : vector<1x16xf32> to vector<16xf32>
      %eq3A_160 = vector.broadcast %and3A_154 : i32 to vector<16xi32>
      %eq3A_161 = arith.cmpi eq, %iota3A, %eq3A_160 : vector<16xi32>
      %jit3A_162 = arith.constant 0.000000e+00 : f32
      %broadcast_in_dim3A_163 = vector.broadcast %jit3A_162 : f32 to vector<16xf32>
      %select_n3A_164 = arith.select %eq3A_161, %get3A_159, %broadcast_in_dim3A_163 : vector<16xi1>, vector<16xf32>
      %add3A_165 = arith.addf %add3A_147, %select_n3A_164 : vector<16xf32>
      %slice3A_166 = vector.extract_strided_slice %get3A_31 {offsets = [6], sizes = [1], strides = [1]} : vector<16xi32> to vector<1xi32>
      %squeeze3A_167 = vector.extract %slice3A_166[0] : i32 from vector<1xi32>
      %and3A_168 = arith.constant 8176 : i32
      %and3A_169 = arith.andi %squeeze3A_167, %and3A_168 : i32
      %multiple_of3A_170 = tpu.assume_multiple %and3A_169, 16 : i32
      %and3A_171 = arith.constant 15 : i32
      %and3A_172 = arith.andi %squeeze3A_167, %and3A_171 : i32
      %get3A_173 = arith.constant 2 : i32
      %get3A_174 = arith.index_cast %get3A_173 : i32 to index
      %get3A_175 = arith.index_cast %multiple_of3A_170 : i32 to index
      %get3A_176 = tpu.vector_load %arg10[%get3A_174, %get3A_175] {strides = array<i32>} : memref<4x8192xf32, #tpu.memory_space<vmem>>, vector<1x16xf32>,
      %get3A_177 = vector.shape_cast %get3A_176 : vector<1x16xf32> to vector<16xf32>
      %eq3A_178 = vector.broadcast %and3A_172 : i32 to vector<16xi32>
      %eq3A_179 = arith.cmpi eq, %iota3A, %eq3A_178 : vector<16xi32>
      %jit3A_180 = arith.constant 0.000000e+00 : f32
      %broadcast_in_dim3A_181 = vector.broadcast %jit3A_180 : f32 to vector<16xf32>
      %select_n3A_182 = arith.select %eq3A_179, %get3A_177, %broadcast_in_dim3A_181 : vector<16xi1>, vector<16xf32>
      %add3A_183 = arith.addf %add3A_165, %select_n3A_182 : vector<16xf32>
      %slice3A_184 = vector.extract_strided_slice %get3A_31 {offsets = [7], sizes = [1], strides = [1]} : vector<16xi32> to vector<1xi32>
      %squeeze3A_185 = vector.extract %slice3A_184[0] : i32 from vector<1xi32>
      %and3A_186 = arith.constant 8176 : i32
      %and3A_187 = arith.andi %squeeze3A_185, %and3A_186 : i32
      %multiple_of3A_188 = tpu.assume_multiple %and3A_187, 16 : i32
      %and3A_189 = arith.constant 15 : i32
      %and3A_190 = arith.andi %squeeze3A_185, %and3A_189 : i32
      %get3A_191 = arith.constant 3 : i32
      %get3A_192 = arith.index_cast %get3A_191 : i32 to index
      %get3A_193 = arith.index_cast %multiple_of3A_188 : i32 to index
      %get3A_194 = tpu.vector_load %arg10[%get3A_192, %get3A_193] {strides = array<i32>} : memref<4x8192xf32, #tpu.memory_space<vmem>>, vector<1x16xf32>,
      %get3A_195 = vector.shape_cast %get3A_194 : vector<1x16xf32> to vector<16xf32>
      %eq3A_196 = vector.broadcast %and3A_190 : i32 to vector<16xi32>
      %eq3A_197 = arith.cmpi eq, %iota3A, %eq3A_196 : vector<16xi32>
      %jit3A_198 = arith.constant 0.000000e+00 : f32
      %broadcast_in_dim3A_199 = vector.broadcast %jit3A_198 : f32 to vector<16xf32>
      %select_n3A_200 = arith.select %eq3A_197, %get3A_195, %broadcast_in_dim3A_199 : vector<16xi1>, vector<16xf32>
      %add3A_201 = arith.addf %add3A_183, %select_n3A_200 : vector<16xf32>
      %add3A_202 = arith.addf %get3A_127, %add3A_201 : vector<16xf32>
      %swap3A_203 = arith.constant 0 : index
      %swap3A_204 = tpu.vector_load %arg11[%swap3A_203] {strides = array<i32>} : memref<16xf32, #tpu.memory_space<vmem>>, vector<16xf32>,
      %swap3A_205 = vector.shape_cast %swap3A_204 : vector<16xf32> to vector<16xf32>
      %swap3A_206 = vector.shape_cast %add3A_202 : vector<16xf32> to vector<16xf32>
      tpu.vector_store %arg11[%swap3A_203], %swap3A_206 {strides = array<i32>} : memref<16xf32, #tpu.memory_space<vmem>>, vector<16xf32>,
      %add3A_207 = arith.constant 1 : i32
      %add3A_208 = arith.addi %mul3A_27, %add3A_207 : i32
      %mul3A_209 = arith.constant 4 : i32
      %mul3A_210 = arith.muli %add3A_208, %mul3A_209 : i32
      %add3A_211 = arith.addi %mul3A_2, %mul3A_210 : i32
      "tpu.region"() ({
        %run_scoped3A = tpu.sem_alloc : memref<!tpu.dma_semaphore, #tpu.memory_space<semaphore_mem>>
        %dma_start3A_217 = arith.constant 0 : i32
        %dma_start3A_218 = tpu.memref_slice %arg5[%add3A_211, %dma_start3A_217] : memref<8192x8192xf32, #tpu.memory_space<hbm>> -> memref<4x8192xf32, #tpu.memory_space<hbm>>
        %dma_start3A_219 = arith.constant 0 : i32
        %dma_start3A_220 = tpu.memref_slice %arg5[%add3A_211, %dma_start3A_219] : memref<8192x8192xf32, #tpu.memory_space<hbm>> -> memref<4x8192xf32, #tpu.memory_space<hbm>>
        tpu.enqueue_dma source(%arg10 : memref<4x8192xf32, #tpu.memory_space<vmem>>) target(%dma_start3A_220 : memref<4x8192xf32, #tpu.memory_space<hbm>>) target_semaphore(%run_scoped3A : memref<!tpu.dma_semaphore, #tpu.memory_space<semaphore_mem>>)
        %dma_wait3A_221 = arith.constant 0 : i32
        %dma_wait3A_222 = tpu.memref_slice %arg5[%add3A_211, %dma_wait3A_221] : memref<8192x8192xf32, #tpu.memory_space<hbm>> -> memref<4x8192xf32, #tpu.memory_space<hbm>>
        %dma_wait3A_223 = arith.constant 0 : i32
        %dma_wait3A_224 = tpu.memref_slice %arg5[%add3A_211, %dma_wait3A_223] : memref<8192x8192xf32, #tpu.memory_space<hbm>> -> memref<4x8192xf32, #tpu.memory_space<hbm>>
        tpu.wait_dma2 semaphore(%run_scoped3A : memref<!tpu.dma_semaphore, #tpu.memory_space<semaphore_mem>>) src(%arg10 : memref<4x8192xf32, #tpu.memory_space<vmem>>) dst(%dma_wait3A_224 : memref<4x8192xf32, #tpu.memory_space<hbm>>)
        tpu.yield
      }) : () -> ()
      %lt3A_212 = arith.constant 31 : i32
      %lt3A_213 = arith.cmpi slt, %scan3A_25, %lt3A_212 : i32
      %convert_element_type3A_214 = arith.extui %lt3A_213 : i1 to i32
      %cond3A_215 = arith.constant 0 : i32
      %cond3A_216 = arith.cmpi ne, %convert_element_type3A_214, %cond3A_215 : i32
      scf.if %cond3A_216 {
        %add3A_217 = arith.constant 2 : i32
        %add3A_218 = arith.addi %mul3A_27, %add3A_217 : i32
        %add3A_219 = arith.constant 1 : i32
        %add3A_220 = arith.addi %add3A_218, %add3A_219 : i32
        %dma_start3A_221 = arith.constant 0 : i32
        %dma_start3A_222 = tpu.memref_slice %arg7[%add3A_220, %dma_start3A_221] : memref<64x4xi32, #tpu.memory_space<vmem>> -> memref<1x4xi32, #tpu.memory_space<vmem>>
        %dma_start3A_223 = tpu.memref_squeeze %dma_start3A_222 : memref<1x4xi32, #tpu.memory_space<vmem>> -> memref<4xi32, #tpu.memory_space<vmem>>
        %dma_start3A_224 = arith.constant 0 : i32
        %dma_start3A_225 = arith.constant 0 : i32
        %dma_start3A_226 = tpu.memref_slice %arg2[%dma_start3A_224, %dma_start3A_225] : memref<8192x8192xf32, #tpu.memory_space<hbm>> -> memref<8192x8192xf32, #tpu.memory_space<hbm>>
        tpu.enqueue_indirect_dma source(%dma_start3A_226 : memref<8192x8192xf32, #tpu.memory_space<hbm>>) target(%arg10 : memref<4x8192xf32, #tpu.memory_space<vmem>>) offsets(%dma_start3A_223 : memref<4xi32, #tpu.memory_space<vmem>>) semaphore(%arg13 : memref<!tpu.dma_semaphore, #tpu.memory_space<semaphore_mem>>)
      } else {
      }
    }
    %scan3A_24 = arith.constant 32 : i32
    "tpu.region"() ({
      %run_scoped3A = tpu.sem_alloc : memref<!tpu.dma_semaphore, #tpu.memory_space<semaphore_mem>>
      %dma_start3A_25 = arith.constant 0 : i32
      %dma_start3A_26 = tpu.memref_slice %arg6[%add3A, %dma_start3A_25] : memref<32x16xf32, #tpu.memory_space<hbm>> -> memref<1x16xf32, #tpu.memory_space<hbm>>
      %dma_start3A_27 = tpu.memref_squeeze %dma_start3A_26 : memref<1x16xf32, #tpu.memory_space<hbm>> -> memref<16xf32, #tpu.memory_space<hbm>>
      %dma_start3A_28 = arith.constant 0 : i32
      %dma_start3A_29 = tpu.memref_slice %arg6[%add3A, %dma_start3A_28] : memref<32x16xf32, #tpu.memory_space<hbm>> -> memref<1x16xf32, #tpu.memory_space<hbm>>
      %dma_start3A_30 = tpu.memref_squeeze %dma_start3A_29 : memref<1x16xf32, #tpu.memory_space<hbm>> -> memref<16xf32, #tpu.memory_space<hbm>>
      tpu.enqueue_dma source(%arg11 : memref<16xf32, #tpu.memory_space<vmem>>) target(%dma_start3A_30 : memref<16xf32, #tpu.memory_space<hbm>>) target_semaphore(%run_scoped3A : memref<!tpu.dma_semaphore, #tpu.memory_space<semaphore_mem>>)
      %dma_wait3A = arith.constant 0 : i32
      %dma_wait3A_31 = tpu.memref_slice %arg6[%add3A, %dma_wait3A] : memref<32x16xf32, #tpu.memory_space<hbm>> -> memref<1x16xf32, #tpu.memory_space<hbm>>
      %dma_wait3A_32 = tpu.memref_squeeze %dma_wait3A_31 : memref<1x16xf32, #tpu.memory_space<hbm>> -> memref<16xf32, #tpu.memory_space<hbm>>
      %dma_wait3A_33 = arith.constant 0 : i32
      %dma_wait3A_34 = tpu.memref_slice %arg6[%add3A, %dma_wait3A_33] : memref<32x16xf32, #tpu.memory_space<hbm>> -> memref<1x16xf32, #tpu.memory_space<hbm>>
      %dma_wait3A_35 = tpu.memref_squeeze %dma_wait3A_34 : memref<1x16xf32, #tpu.memory_space<hbm>> -> memref<16xf32, #tpu.memory_space<hbm>>
      tpu.wait_dma2 semaphore(%run_scoped3A : memref<!tpu.dma_semaphore, #tpu.memory_space<semaphore_mem>>) src(%arg11 : memref<16xf32, #tpu.memory_space<vmem>>) dst(%dma_wait3A_35 : memref<16xf32, #tpu.memory_space<hbm>>)
      tpu.yield
    }) : () -> ()
    return
  }
}

#map = affine_map<(d0, d1) -> (0, 0)>
#map1 = affine_map<(d0, d1) -> (0)>
module attributes {stable_mosaic.version = 14 : i64} {
  func.func @k(%arg0: i32, %arg1: i32, %arg2: memref<32x256xi32, #tpu.memory_space<hbm>>, %arg3: memref<8192xf32, #tpu.memory_space<hbm>>, %arg4: memref<32x16xf32, #tpu.memory_space<hbm>>, %arg5: memref<256xi32, #tpu.memory_space<vmem>>, %arg6: memref<256xf32, #tpu.memory_space<vmem>>, %arg7: memref<16xf32, #tpu.memory_space<vmem>>, %arg8: memref<!tpu.dma_semaphore, #tpu.memory_space<semaphore_mem>>) attributes {dimension_semantics = [#tpu.dimension_semantics<core_parallel>, #tpu.dimension_semantics<subcore_parallel>], iteration_bounds = array<i64: 2, 16>, scalar_prefetch = 0 : i64, scratch_operands = 4 : i64, tpu.core_type = #tpu.core_type<sc_vector_subcore>, window_params = [{transform_indices = #map}, {transform_indices = #map1}, {transform_indices = #map}]} {
    %mul3A = arith.constant 2 : i32
    %mul3A_0 = arith.muli %arg1, %mul3A : i32
    %add3A = arith.addi %mul3A_0, %arg0 : i32
    "tpu.region"() ({
      %run_scoped3A = tpu.sem_alloc : memref<!tpu.dma_semaphore, #tpu.memory_space<semaphore_mem>>
      %dma_start3A_90 = arith.constant 0 : i32
      %dma_start3A_91 = tpu.memref_slice %arg2[%add3A, %dma_start3A_90] : memref<32x256xi32, #tpu.memory_space<hbm>> -> memref<1x256xi32, #tpu.memory_space<hbm>>
      %dma_start3A_92 = tpu.memref_squeeze %dma_start3A_91 : memref<1x256xi32, #tpu.memory_space<hbm>> -> memref<256xi32, #tpu.memory_space<hbm>>
      %dma_start3A_93 = arith.constant 0 : i32
      %dma_start3A_94 = tpu.memref_slice %arg2[%add3A, %dma_start3A_93] : memref<32x256xi32, #tpu.memory_space<hbm>> -> memref<1x256xi32, #tpu.memory_space<hbm>>
      %dma_start3A_95 = tpu.memref_squeeze %dma_start3A_94 : memref<1x256xi32, #tpu.memory_space<hbm>> -> memref<256xi32, #tpu.memory_space<hbm>>
      tpu.enqueue_dma source(%dma_start3A_95 : memref<256xi32, #tpu.memory_space<hbm>>) target(%arg5 : memref<256xi32, #tpu.memory_space<vmem>>) target_semaphore(%run_scoped3A : memref<!tpu.dma_semaphore, #tpu.memory_space<semaphore_mem>>)
      %dma_wait3A_96 = arith.constant 0 : i32
      %dma_wait3A_97 = tpu.memref_slice %arg2[%add3A, %dma_wait3A_96] : memref<32x256xi32, #tpu.memory_space<hbm>> -> memref<1x256xi32, #tpu.memory_space<hbm>>
      %dma_wait3A_98 = tpu.memref_squeeze %dma_wait3A_97 : memref<1x256xi32, #tpu.memory_space<hbm>> -> memref<256xi32, #tpu.memory_space<hbm>>
      %dma_wait3A_99 = arith.constant 0 : i32
      %dma_wait3A_100 = tpu.memref_slice %arg2[%add3A, %dma_wait3A_99] : memref<32x256xi32, #tpu.memory_space<hbm>> -> memref<1x256xi32, #tpu.memory_space<hbm>>
      %dma_wait3A_101 = tpu.memref_squeeze %dma_wait3A_100 : memref<1x256xi32, #tpu.memory_space<hbm>> -> memref<256xi32, #tpu.memory_space<hbm>>
      tpu.wait_dma2 semaphore(%run_scoped3A : memref<!tpu.dma_semaphore, #tpu.memory_space<semaphore_mem>>) src(%dma_wait3A_101 : memref<256xi32, #tpu.memory_space<hbm>>) dst(%arg5 : memref<256xi32, #tpu.memory_space<vmem>>)
      tpu.yield
    }) : () -> ()
    %dma_start3A = arith.constant 0 : i32
    %dma_start3A_1 = tpu.memref_slice %arg6[%dma_start3A] : memref<256xf32, #tpu.memory_space<vmem>> -> memref<128xf32, #tpu.memory_space<vmem>>
    %dma_start3A_2 = arith.constant 0 : i32
    %dma_start3A_3 = tpu.memref_slice %arg5[%dma_start3A_2] : memref<256xi32, #tpu.memory_space<vmem>> -> memref<128xi32, #tpu.memory_space<vmem>>
    %dma_start3A_4 = arith.constant 0 : i32
    %dma_start3A_5 = tpu.memref_slice %arg3[%dma_start3A_4] : memref<8192xf32, #tpu.memory_space<hbm>> -> memref<8192xf32, #tpu.memory_space<hbm>>
    tpu.enqueue_indirect_dma source(%dma_start3A_5 : memref<8192xf32, #tpu.memory_space<hbm>>) target(%dma_start3A_1 : memref<128xf32, #tpu.memory_space<vmem>>) offsets(%dma_start3A_3 : memref<128xi32, #tpu.memory_space<vmem>>) semaphore(%arg8 : memref<!tpu.dma_semaphore, #tpu.memory_space<semaphore_mem>>)
    %dma_wait3A = arith.constant 0 : i32
    %dma_wait3A_6 = tpu.memref_slice %arg6[%dma_wait3A] : memref<256xf32, #tpu.memory_space<vmem>> -> memref<128xf32, #tpu.memory_space<vmem>>
    %dma_wait3A_7 = arith.constant 0 : i32
    %dma_wait3A_8 = tpu.memref_slice %arg5[%dma_wait3A_7] : memref<256xi32, #tpu.memory_space<vmem>> -> memref<128xi32, #tpu.memory_space<vmem>>
    %dma_wait3A_9 = arith.constant 0 : i32
    %dma_wait3A_10 = tpu.memref_slice %arg3[%dma_wait3A_9] : memref<8192xf32, #tpu.memory_space<hbm>> -> memref<8192xf32, #tpu.memory_space<hbm>>
    tpu.wait_indirect_dma semaphore(%arg8 : memref<!tpu.dma_semaphore, #tpu.memory_space<semaphore_mem>>) src(%dma_wait3A_10 : memref<8192xf32, #tpu.memory_space<hbm>>) dst(%dma_wait3A_6 : memref<128xf32, #tpu.memory_space<vmem>>)
    %dma_start3A_11 = arith.constant 128 : i32
    %dma_start3A_12 = tpu.memref_slice %arg6[%dma_start3A_11] : memref<256xf32, #tpu.memory_space<vmem>> -> memref<128xf32, #tpu.memory_space<vmem>>
    %dma_start3A_13 = arith.constant 128 : i32
    %dma_start3A_14 = tpu.memref_slice %arg5[%dma_start3A_13] : memref<256xi32, #tpu.memory_space<vmem>> -> memref<128xi32, #tpu.memory_space<vmem>>
    %dma_start3A_15 = arith.constant 0 : i32
    %dma_start3A_16 = tpu.memref_slice %arg3[%dma_start3A_15] : memref<8192xf32, #tpu.memory_space<hbm>> -> memref<8192xf32, #tpu.memory_space<hbm>>
    tpu.enqueue_indirect_dma source(%dma_start3A_16 : memref<8192xf32, #tpu.memory_space<hbm>>) target(%dma_start3A_12 : memref<128xf32, #tpu.memory_space<vmem>>) offsets(%dma_start3A_14 : memref<128xi32, #tpu.memory_space<vmem>>) semaphore(%arg8 : memref<!tpu.dma_semaphore, #tpu.memory_space<semaphore_mem>>)
    %dma_wait3A_17 = arith.constant 128 : i32
    %dma_wait3A_18 = tpu.memref_slice %arg6[%dma_wait3A_17] : memref<256xf32, #tpu.memory_space<vmem>> -> memref<128xf32, #tpu.memory_space<vmem>>
    %dma_wait3A_19 = arith.constant 128 : i32
    %dma_wait3A_20 = tpu.memref_slice %arg5[%dma_wait3A_19] : memref<256xi32, #tpu.memory_space<vmem>> -> memref<128xi32, #tpu.memory_space<vmem>>
    %dma_wait3A_21 = arith.constant 0 : i32
    %dma_wait3A_22 = tpu.memref_slice %arg3[%dma_wait3A_21] : memref<8192xf32, #tpu.memory_space<hbm>> -> memref<8192xf32, #tpu.memory_space<hbm>>
    tpu.wait_indirect_dma semaphore(%arg8 : memref<!tpu.dma_semaphore, #tpu.memory_space<semaphore_mem>>) src(%dma_wait3A_22 : memref<8192xf32, #tpu.memory_space<hbm>>) dst(%dma_wait3A_18 : memref<128xf32, #tpu.memory_space<vmem>>)
    %broadcast_in_dim3A = arith.constant 0.000000e+00 : f32
    %broadcast_in_dim3A_23 = vector.broadcast %broadcast_in_dim3A : f32 to vector<16xf32>
    %get3A = arith.constant 0 : index
    %get3A_24 = tpu.vector_load %arg6[%get3A] {strides = array<i32>} : memref<256xf32, #tpu.memory_space<vmem>>, vector<16xf32>,
    %get3A_25 = vector.shape_cast %get3A_24 : vector<16xf32> to vector<16xf32>
    %add3A_26 = arith.addf %broadcast_in_dim3A_23, %get3A_25 : vector<16xf32>
    %get3A_27 = arith.constant 16 : index
    %get3A_28 = tpu.vector_load %arg6[%get3A_27] {strides = array<i32>} : memref<256xf32, #tpu.memory_space<vmem>>, vector<16xf32>,
    %get3A_29 = vector.shape_cast %get3A_28 : vector<16xf32> to vector<16xf32>
    %add3A_30 = arith.addf %add3A_26, %get3A_29 : vector<16xf32>
    %get3A_31 = arith.constant 32 : index
    %get3A_32 = tpu.vector_load %arg6[%get3A_31] {strides = array<i32>} : memref<256xf32, #tpu.memory_space<vmem>>, vector<16xf32>,
    %get3A_33 = vector.shape_cast %get3A_32 : vector<16xf32> to vector<16xf32>
    %add3A_34 = arith.addf %add3A_30, %get3A_33 : vector<16xf32>
    %get3A_35 = arith.constant 48 : index
    %get3A_36 = tpu.vector_load %arg6[%get3A_35] {strides = array<i32>} : memref<256xf32, #tpu.memory_space<vmem>>, vector<16xf32>,
    %get3A_37 = vector.shape_cast %get3A_36 : vector<16xf32> to vector<16xf32>
    %add3A_38 = arith.addf %add3A_34, %get3A_37 : vector<16xf32>
    %get3A_39 = arith.constant 64 : index
    %get3A_40 = tpu.vector_load %arg6[%get3A_39] {strides = array<i32>} : memref<256xf32, #tpu.memory_space<vmem>>, vector<16xf32>,
    %get3A_41 = vector.shape_cast %get3A_40 : vector<16xf32> to vector<16xf32>
    %add3A_42 = arith.addf %add3A_38, %get3A_41 : vector<16xf32>
    %get3A_43 = arith.constant 80 : index
    %get3A_44 = tpu.vector_load %arg6[%get3A_43] {strides = array<i32>} : memref<256xf32, #tpu.memory_space<vmem>>, vector<16xf32>,
    %get3A_45 = vector.shape_cast %get3A_44 : vector<16xf32> to vector<16xf32>
    %add3A_46 = arith.addf %add3A_42, %get3A_45 : vector<16xf32>
    %get3A_47 = arith.constant 96 : index
    %get3A_48 = tpu.vector_load %arg6[%get3A_47] {strides = array<i32>} : memref<256xf32, #tpu.memory_space<vmem>>, vector<16xf32>,
    %get3A_49 = vector.shape_cast %get3A_48 : vector<16xf32> to vector<16xf32>
    %add3A_50 = arith.addf %add3A_46, %get3A_49 : vector<16xf32>
    %get3A_51 = arith.constant 112 : index
    %get3A_52 = tpu.vector_load %arg6[%get3A_51] {strides = array<i32>} : memref<256xf32, #tpu.memory_space<vmem>>, vector<16xf32>,
    %get3A_53 = vector.shape_cast %get3A_52 : vector<16xf32> to vector<16xf32>
    %add3A_54 = arith.addf %add3A_50, %get3A_53 : vector<16xf32>
    %get3A_55 = arith.constant 128 : index
    %get3A_56 = tpu.vector_load %arg6[%get3A_55] {strides = array<i32>} : memref<256xf32, #tpu.memory_space<vmem>>, vector<16xf32>,
    %get3A_57 = vector.shape_cast %get3A_56 : vector<16xf32> to vector<16xf32>
    %add3A_58 = arith.addf %add3A_54, %get3A_57 : vector<16xf32>
    %get3A_59 = arith.constant 144 : index
    %get3A_60 = tpu.vector_load %arg6[%get3A_59] {strides = array<i32>} : memref<256xf32, #tpu.memory_space<vmem>>, vector<16xf32>,
    %get3A_61 = vector.shape_cast %get3A_60 : vector<16xf32> to vector<16xf32>
    %add3A_62 = arith.addf %add3A_58, %get3A_61 : vector<16xf32>
    %get3A_63 = arith.constant 160 : index
    %get3A_64 = tpu.vector_load %arg6[%get3A_63] {strides = array<i32>} : memref<256xf32, #tpu.memory_space<vmem>>, vector<16xf32>,
    %get3A_65 = vector.shape_cast %get3A_64 : vector<16xf32> to vector<16xf32>
    %add3A_66 = arith.addf %add3A_62, %get3A_65 : vector<16xf32>
    %get3A_67 = arith.constant 176 : index
    %get3A_68 = tpu.vector_load %arg6[%get3A_67] {strides = array<i32>} : memref<256xf32, #tpu.memory_space<vmem>>, vector<16xf32>,
    %get3A_69 = vector.shape_cast %get3A_68 : vector<16xf32> to vector<16xf32>
    %add3A_70 = arith.addf %add3A_66, %get3A_69 : vector<16xf32>
    %get3A_71 = arith.constant 192 : index
    %get3A_72 = tpu.vector_load %arg6[%get3A_71] {strides = array<i32>} : memref<256xf32, #tpu.memory_space<vmem>>, vector<16xf32>,
    %get3A_73 = vector.shape_cast %get3A_72 : vector<16xf32> to vector<16xf32>
    %add3A_74 = arith.addf %add3A_70, %get3A_73 : vector<16xf32>
    %get3A_75 = arith.constant 208 : index
    %get3A_76 = tpu.vector_load %arg6[%get3A_75] {strides = array<i32>} : memref<256xf32, #tpu.memory_space<vmem>>, vector<16xf32>,
    %get3A_77 = vector.shape_cast %get3A_76 : vector<16xf32> to vector<16xf32>
    %add3A_78 = arith.addf %add3A_74, %get3A_77 : vector<16xf32>
    %get3A_79 = arith.constant 224 : index
    %get3A_80 = tpu.vector_load %arg6[%get3A_79] {strides = array<i32>} : memref<256xf32, #tpu.memory_space<vmem>>, vector<16xf32>,
    %get3A_81 = vector.shape_cast %get3A_80 : vector<16xf32> to vector<16xf32>
    %add3A_82 = arith.addf %add3A_78, %get3A_81 : vector<16xf32>
    %get3A_83 = arith.constant 240 : index
    %get3A_84 = tpu.vector_load %arg6[%get3A_83] {strides = array<i32>} : memref<256xf32, #tpu.memory_space<vmem>>, vector<16xf32>,
    %get3A_85 = vector.shape_cast %get3A_84 : vector<16xf32> to vector<16xf32>
    %add3A_86 = arith.addf %add3A_82, %get3A_85 : vector<16xf32>
    %swap3A = arith.constant 0 : index
    %swap3A_87 = tpu.vector_load %arg7[%swap3A] {strides = array<i32>} : memref<16xf32, #tpu.memory_space<vmem>>, vector<16xf32>,
    %swap3A_88 = vector.shape_cast %swap3A_87 : vector<16xf32> to vector<16xf32>
    %swap3A_89 = vector.shape_cast %add3A_86 : vector<16xf32> to vector<16xf32>
    tpu.vector_store %arg7[%swap3A], %swap3A_89 {strides = array<i32>} : memref<16xf32, #tpu.memory_space<vmem>>, vector<16xf32>,
    "tpu.region"() ({
      %run_scoped3A = tpu.sem_alloc : memref<!tpu.dma_semaphore, #tpu.memory_space<semaphore_mem>>
      %dma_start3A_90 = arith.constant 0 : i32
      %dma_start3A_91 = tpu.memref_slice %arg4[%add3A, %dma_start3A_90] : memref<32x16xf32, #tpu.memory_space<hbm>> -> memref<1x16xf32, #tpu.memory_space<hbm>>
      %dma_start3A_92 = tpu.memref_squeeze %dma_start3A_91 : memref<1x16xf32, #tpu.memory_space<hbm>> -> memref<16xf32, #tpu.memory_space<hbm>>
      %dma_start3A_93 = arith.constant 0 : i32
      %dma_start3A_94 = tpu.memref_slice %arg4[%add3A, %dma_start3A_93] : memref<32x16xf32, #tpu.memory_space<hbm>> -> memref<1x16xf32, #tpu.memory_space<hbm>>
      %dma_start3A_95 = tpu.memref_squeeze %dma_start3A_94 : memref<1x16xf32, #tpu.memory_space<hbm>> -> memref<16xf32, #tpu.memory_space<hbm>>
      tpu.enqueue_dma source(%arg7 : memref<16xf32, #tpu.memory_space<vmem>>) target(%dma_start3A_95 : memref<16xf32, #tpu.memory_space<hbm>>) target_semaphore(%run_scoped3A : memref<!tpu.dma_semaphore, #tpu.memory_space<semaphore_mem>>)
      %dma_wait3A_96 = arith.constant 0 : i32
      %dma_wait3A_97 = tpu.memref_slice %arg4[%add3A, %dma_wait3A_96] : memref<32x16xf32, #tpu.memory_space<hbm>> -> memref<1x16xf32, #tpu.memory_space<hbm>>
      %dma_wait3A_98 = tpu.memref_squeeze %dma_wait3A_97 : memref<1x16xf32, #tpu.memory_space<hbm>> -> memref<16xf32, #tpu.memory_space<hbm>>
      %dma_wait3A_99 = arith.constant 0 : i32
      %dma_wait3A_100 = tpu.memref_slice %arg4[%add3A, %dma_wait3A_99] : memref<32x16xf32, #tpu.memory_space<hbm>> -> memref<1x16xf32, #tpu.memory_space<hbm>>
      %dma_wait3A_101 = tpu.memref_squeeze %dma_wait3A_100 : memref<1x16xf32, #tpu.memory_space<hbm>> -> memref<16xf32, #tpu.memory_space<hbm>>
      tpu.wait_dma2 semaphore(%run_scoped3A : memref<!tpu.dma_semaphore, #tpu.memory_space<semaphore_mem>>) src(%arg7 : memref<16xf32, #tpu.memory_space<vmem>>) dst(%dma_wait3A_101 : memref<16xf32, #tpu.memory_space<hbm>>)
      tpu.yield
    }) : () -> ()
    return
  }
}

module attributes {stable_mosaic.version = 14 : i64} {
  func.func @body(%arg0: i32, %arg1: memref<256x8192xf32, #tpu.memory_space<vmem>>, %arg2: memref<1x1x256xf32, #tpu.memory_space<vmem>>) attributes {dimension_semantics = [#tpu.dimension_semantics<arbitrary>], iteration_bounds = array<i64: 32>, scalar_prefetch = 0 : i64, scratch_operands = 0 : i64, tpu.core_type = #tpu.core_type<tc>, window_params = [{transform_indices = @transform_0, window_bounds = array<i64: 256, 8192>}, {transform_indices = @transform_1, window_bounds = array<i64: 1, 1, 256>}]} {
    %get3A = arith.constant 0 : index
    %get3A_0 = arith.constant 0 : index
    %get3A_1 = vector.load %arg1[%get3A, %get3A_0] : memref<256x8192xf32, #tpu.memory_space<vmem>>, vector<256x8192xf32>
    %reduce_max3A = arith.constant dense<0xFF800000> : vector<256xf32>
    %reduce_max3A_2 = vector.multi_reduction <maximumf>, %get3A_1, %reduce_max3A [1] : vector<256x8192xf32> to vector<256xf32>
    %broadcast_in_dim3A = vector.shape_cast %reduce_max3A_2 : vector<256xf32> to vector<256x1xf32>
    %sub3A = vector.broadcast %broadcast_in_dim3A : vector<256x1xf32> to vector<256x8192xf32>
    %sub3A_3 = arith.subf %get3A_1, %sub3A : vector<256x8192xf32>
    %exp3A = math.exp %sub3A_3 : vector<256x8192xf32>
    %reduce_sum3A = arith.constant dense<0.000000e+00> : vector<256xf32>
    %reduce_sum3A_4 = vector.multi_reduction <add>, %exp3A, %reduce_sum3A [1] : vector<256x8192xf32> to vector<256xf32>
    %broadcast_in_dim3A_5 = vector.shape_cast %reduce_sum3A_4 : vector<256xf32> to vector<256x1xf32>
    %squeeze3A = vector.shape_cast %broadcast_in_dim3A : vector<256x1xf32> to vector<256xf32>
    %squeeze3A_6 = vector.shape_cast %broadcast_in_dim3A_5 : vector<256x1xf32> to vector<256xf32>
    %log3A = math.log %squeeze3A_6 : vector<256xf32>
    %add3A = arith.addf %squeeze3A, %log3A : vector<256xf32>
    %broadcast_in_dim3A_7 = vector.shape_cast %add3A : vector<256xf32> to vector<1x1x256xf32>
    %swap3A = arith.constant 0 : index
    %swap3A_8 = arith.constant 0 : index
    %swap3A_9 = arith.constant 0 : index
    %swap3A_10 = vector.load %arg2[%swap3A, %swap3A_8, %swap3A_9] : memref<1x1x256xf32, #tpu.memory_space<vmem>>, vector<1x1x256xf32>
    tpu.vector_store %arg2[%swap3A, %swap3A_8, %swap3A_9], %broadcast_in_dim3A_7 {strides = array<i32>} : memref<1x1x256xf32, #tpu.memory_space<vmem>>, vector<1x1x256xf32>,
    return
  }
  func.func @transform_0(%arg0: i32) -> (i32, i32) {
    %c0_i32 = arith.constant 0 : i32
    %c0_i32_0 = arith.constant 0 : i32
    return %arg0, %c0_i32 : i32, i32
  }
  func.func @transform_1(%arg0: i32) -> (i32, i32, i32) {
    %c0_i32 = arith.constant 0 : i32
    %c0_i32_0 = arith.constant 0 : i32
    %c0_i32_1 = arith.constant 0 : i32
    return %arg0, %c0_i32, %c0_i32_0 : i32, i32, i32
  }
}

module attributes {stable_mosaic.version = 14 : i64} {
  func.func @body(%arg0: memref<32x16xf32, #tpu.memory_space<vmem>>, %arg1: memref<32x16xf32, #tpu.memory_space<vmem>>, %arg2: memref<1x1xf32, #tpu.memory_space<vmem>>) attributes {dimension_semantics = [], scalar_prefetch = 0 : i64, scratch_operands = 0 : i64, tpu.core_type = #tpu.core_type<tc>} {
    %get3A = arith.constant 0 : index
    %get3A_0 = arith.constant 0 : index
    %get3A_1 = vector.load %arg0[%get3A, %get3A_0] : memref<32x16xf32, #tpu.memory_space<vmem>>, vector<32x16xf32>
    %reduce_sum3A = vector.shape_cast %get3A_1 : vector<32x16xf32> to vector<1x32x16xf32>
    %reduce_sum3A_2 = arith.constant dense<0.000000e+00> : vector<1xf32>
    %reduce_sum3A_3 = vector.multi_reduction <add>, %reduce_sum3A, %reduce_sum3A_2 [1, 2] : vector<1x32x16xf32> to vector<1xf32>
    %reduce_sum3A_4 = vector.shape_cast %reduce_sum3A_3 : vector<1xf32> to vector<1x1x1xf32>
    %reduce_sum3A_5 = vector.extract %reduce_sum3A_4[0, 0, 0] : f32 from vector<1x1x1xf32>
    %get3A_6 = arith.constant 0 : index
    %get3A_7 = arith.constant 0 : index
    %get3A_8 = vector.load %arg1[%get3A_6, %get3A_7] : memref<32x16xf32, #tpu.memory_space<vmem>>, vector<32x16xf32>
    %reduce_sum3A_9 = vector.shape_cast %get3A_8 : vector<32x16xf32> to vector<1x32x16xf32>
    %reduce_sum3A_10 = arith.constant dense<0.000000e+00> : vector<1xf32>
    %reduce_sum3A_11 = vector.multi_reduction <add>, %reduce_sum3A_9, %reduce_sum3A_10 [1, 2] : vector<1x32x16xf32> to vector<1xf32>
    %reduce_sum3A_12 = vector.shape_cast %reduce_sum3A_11 : vector<1xf32> to vector<1x1x1xf32>
    %reduce_sum3A_13 = vector.extract %reduce_sum3A_12[0, 0, 0] : f32 from vector<1x1x1xf32>
    %sub3A = arith.subf %reduce_sum3A_5, %reduce_sum3A_13 : f32
    %mul3A = arith.constant 1.22070313E-4 : f32
    %mul3A_14 = arith.mulf %sub3A, %mul3A : f32
    %broadcast_in_dim3A = vector.broadcast %mul3A_14 : f32 to vector<1x1xf32>
    %swap3A = arith.constant 0 : index
    %swap3A_15 = arith.constant 0 : index
    %swap3A_16 = vector.load %arg2[%swap3A, %swap3A_15] : memref<1x1xf32, #tpu.memory_space<vmem>>, vector<1x1xf32>
    tpu.vector_store %arg2[%swap3A, %swap3A_15], %broadcast_in_dim3A {strides = array<i32>} : memref<1x1xf32, #tpu.memory_space<vmem>>, vector<1x1xf32>,
    return
  }
}

</mosaic_0001>

<sc_bundles>
// kernel: kernel.6.cloned.1.call-start
scs
__scs_entry_jumppad:
0x0: {  	(pc) =	sbr.rel $0x88, $3  }
0x1: {  	(tag) =	ssettag $0x0;
	lr =	simm.s32 $0x1  }
0x2: {  	[smem:$0x3F9E] =	sst lr;
	_ =	strace $0xD0000000  }
0x3: {  	_ = 	snop  }
0x4: {  	_ = 	snop  }
0x5: {  	_ = 	snop  }
0x6: {  	_ = 	snop  }
0x7: {  	_ = 	snop  }
__scs_overlays_trampoline_lowered:
0x8: {  	[smem:$0x3FAD] =	sst s0  }
0x9: {  	[smem:$0x3FAE] =	sst s1  }
0xa: {  	[smem:$0x3FAF] =	sst s2  }
0xb: {  	[smem:$0x3FB0] =	sst s3  }
0xc: {  	[smem:$0x3FB1] =	sst s4  }
0xd: {  	[smem:$0x3FB2] =	sst s5  }
0xe: {  	[smem:$0x3FB3] =	sst s6  }
0xf: {  	[smem:$0x3FB4] =	sst s7  }
0x10: {  	[smem:$0x3FB5] =	sst s8  }
0x11: {  	[smem:$0x3FB6] =	sst s9;
	s0 =	simm.s32 @!p0 $0x0  }
0x12: {  	s1 =	sld [smem:$0x3F9C];
	s0 =	simm.s32 @p0 $0x1  }
0x13: {  	[smem:$0x3FB7] =	sst s0;
	s0 =	simm.s32 @!p1 $0x0  }
0x14: {  	s2 =	sld [smem:$0x3F9B];
	s0 =	simm.s32 @p1 $0x1  }
0x15: {  	[smem:$0x3FB8] =	sst s0;
	s0 =	simm.s32 @!p2 $0x0  }
0x16: {  	s3 =	sld [smem:$0x3FDB];
	s0 =	simm.s32 @p2 $0x1  }
0x17: {  	s4 =	simm.s32 $0x1BF5;
	[smem:$0x3FBA] =	sst s0  }
0x18: {  	s0 =	sld [smem:$0x3F9D];
	_ =	swait.ge [sflag:s4], $0x0  }
0x19: {  	s7 =	sld [smem:$0x3F9E]  }
0x1a: {  	s8 =	sadd.s32 $0xFFFFE003, lr  }
0x1b: {  	s9 =	sadd.s32 $0xFFFFFEF7, lr;
	s5 =	simm.s32 $0xFFFFFFFF;
	p2 =	slt.u32 s8, $0xFFFFF086  }
0x1c: {  	p1 =	slt.u32 s9, $0xF7A;
	s5 =	simm.s32 @!p2 $0x0  }
0x1d: {  	s5 =	simm.s32 @p1 $0x1;
	p0 =	seq.s32 s7, s2  }
0x1e: {  	s7 =	smul.u32 @!p0 $0xF7A, s2;
	p2 =	seq.s32 @!p0 s5, $0x0  }
0x1f: {  	s9 =	smul.u32 $0xF7A, s1;
	s8 =	simm.s32 @!p0 $0x1BF5;
	p2 =	por !p2, p0  }
0x20: {  	[sflag:s8] =	ssyncset.s32 @!p0 $0xFFFFF086;
	s6 =	sadd.s32 @!p0 s3, s7;
	s7 =	simm.s32 @!p0 $0x108  }
0x21: {  	s3 =	sadd.s32 s3, s9;
	s6 =	sadd.s32 @!p0 $0x88, s6;
	s7 =	simm.s32 @p2 $0x1082  }
0x22: {  	[simem:s7], [sflag:s8] =	dma.local @!p0 [hbm:s6], $0xF7A  }
0x23: {  	s9 =	sor.u32 $0xD0000000, s2;
	s6 =	simm.s32 $0x108;
	_ =	swait.ge @!p0 [sflag:s8], $0x0  }
0x24: {  	s3 =	sadd.s32 $0x88, s3;
	s6 =	simm.s32 @!p1 $0x1082;
	[sflag:s4] =	ssyncset.s32 $0xFFFFF086  }
0x25: {  	[simem:s6], [sflag:s4] =	dma.local [hbm:s3], $0xF7A  }
0x26: {  	[smem:$0x3F9E] =	sst s1;
	(tag) =	ssettag s2;
	_ =	strace s9  }
0x27: {  	s1 =	sld [smem:$0x3FAE]  }
0x28: {  	s2 =	sld [smem:$0x3FAF]  }
0x29: {  	s4 =	sld [smem:$0x3FB1]  }
0x2a: {  	p0 =	seq.s32 s5, $0x0;
	s5 =	sld [smem:$0x3FB2]  }
0x2b: {  	s6 =	sld [smem:$0x3FB3]  }
0x2c: {  	s7 =	sld [smem:$0x3FB4]  }
0x2d: {  	s3 =	simm.s32 $0x108;
	s8 =	sld [smem:$0x3FB5]  }
0x2e: {  	s3 =	simm.s32 @!p0 $0x1082;
	s9 =	sld [smem:$0x3FB6]  }
0x2f: {  	lr =	sadd.s32 s0, s3;
	s0 =	sld [smem:$0x3FAD]  }
0x30: {  	s3 =	sld [smem:$0x3FB0]  }
0x31: {  	[smem:$0x3FB9] =	sst s10  }
0x32: {  	s10 =	sld [smem:$0x3FB7];
	_ =	sdelay $0x3  }
0x33: {  	p0 =	seq.s32 s10, $0x1;
	s10 =	sld [smem:$0x3FB9];
	_ =	sdelay $0x3  }
0x34: {  	[smem:$0x3FB9] =	sst s10  }
0x35: {  	s10 =	sld [smem:$0x3FB8];
	_ =	sdelay $0x3  }
0x36: {  	p1 =	seq.s32 s10, $0x1;
	s10 =	sld [smem:$0x3FB9];
	_ =	sdelay $0x3  }
0x37: {  	[smem:$0x3FB9] =	sst s10  }
0x38: {  	s10 =	sld [smem:$0x3FBA]  }
0x39: {  	_ = 	snop;
	(pc) =	sbr.ind lr, $3  }
0x3a: {  	_ = 	snop  }
0x3b: {  	_ = 	snop  }
0x3c: {  	p2 =	seq.s32 s10, $0x1;
	s10 =	sld [smem:$0x3FB9]  }
0x3d: {  	_ =	shalt  }
0x3e: {  	_ =	shalt  }
0x3f: {  	_ =	shalt  }
0x40: {  	_ =	shalt  }
0x41: {  	_ =	shalt  }
0x42: {  	_ =	shalt  }
0x43: {  	_ =	shalt  }
0x44: {  	_ =	shalt  }
0x45: {  	_ =	shalt  }
0x46: {  	_ =	shalt  }
0x47: {  	_ =	shalt  }
0x48: {  	_ =	shalt  }
0x49: {  	_ =	shalt  }
0x4a: {  	_ =	shalt  }
0x4b: {  	_ =	shalt  }
0x4c: {  	_ =	shalt  }
0x4d: {  	_ =	shalt  }
0x4e: {  	_ =	shalt  }
0x4f: {  	_ =	shalt  }
0x50: {  	_ =	shalt  }
0x51: {  	_ =	shalt  }
0x52: {  	_ =	shalt  }
0x53: {  	_ =	shalt  }
0x54: {  	_ =	shalt  }
0x55: {  	_ =	shalt  }
0x56: {  	_ =	shalt  }
0x57: {  	_ =	shalt  }
0x58: {  	_ =	shalt  }
0x59: {  	_ =	shalt  }
0x5a: {  	_ =	shalt  }
0x5b: {  	_ =	shalt  }
0x5c: {  	_ =	shalt  }
0x5d: {  	_ =	shalt  }
0x5e: {  	_ =	shalt  }
0x5f: {  	_ =	shalt  }
0x60: {  	_ =	shalt  }
0x61: {  	_ =	shalt  }
0x62: {  	_ =	shalt  }
0x63: {  	_ =	shalt  }
0x64: {  	_ =	shalt  }
0x65: {  	_ =	shalt  }
0x66: {  	_ =	shalt  }
0x67: {  	_ =	shalt  }
0x68: {  	_ =	shalt  }
0x69: {  	_ =	shalt  }
0x6a: {  	_ =	shalt  }
0x6b: {  	_ =	shalt  }
0x6c: {  	_ =	shalt  }
0x6d: {  	_ =	shalt  }
0x6e: {  	_ =	shalt  }
0x6f: {  	_ =	shalt  }
0x70: {  	_ =	shalt  }
0x71: {  	_ =	shalt  }
0x72: {  	_ =	shalt  }
0x73: {  	_ =	shalt  }
0x74: {  	_ =	shalt  }
0x75: {  	_ =	shalt  }
0x76: {  	_ =	shalt  }
0x77: {  	_ =	shalt  }
0x78: {  	_ =	shalt  }
0x79: {  	_ =	shalt  }
0x7a: {  	_ =	shalt  }
0x7b: {  	_ =	shalt  }
0x7c: {  	_ =	shalt  }
0x7d: {  	_ =	shalt  }
0x7e: {  	_ =	shalt  }
0x7f: {  	_ =	shalt  }
0x80: {  	_ =	shalt  }
0x81: {  	_ =	shalt  }
0x82: {  	_ =	shalt  }
0x83: {  	_ =	shalt  }
0x84: {  	_ =	shalt  }
0x85: {  	_ =	shalt  }
0x86: {  	_ =	shalt  }
0x87: {  	_ =	shalt  }
.Lfunc_end0:
.L_simem_size_0:
called_computation_lowered:
.L_overlay_start_0:
0x88: {  	s2 =	sld [smem:$0x3FD9]  }
0x89: {  	s3 =	sld [smem:$0x3FFE];
	_ =	sdelay $0x1  }
0x8a: {  	s1 =	srdreg.scid  }
0x8b: {  	s0 =	sand.u32 $0x1, s1  }
0x8c: {  	s14 =	sshll.u32 s0, $0xA;
	s2 =	sadd.s32 s3, s2  }
0x8d: {  	s2 =	sadd.s32 s2, s14  }
0x8e: {  	[smem:$0x3FC5] =	sst s2  }
0x8f: {  	_ = 	snop  }
0x90: {  	s2 =	sld [smem:$0x3FD0];
	_ =	sdelay $0x2  }
0x91: {  	s4 =	simm.s32 $0xB;
	s5 =	simm.s32 $0x10;
	s15 =	sld [smem:$0x3FC9]  }
0x92: {  	[smem:s5], [sflag:s4] =	dma.local [hbm:s2], $0x1  }
0x93: {  	_ =	swait.eq [sflag:s4], $0x1  }
0x94: {  	[sflag:s4] =	ssyncset.done $0x0  }
0x95: {  	[sflag:s4] =	ssyncadd.s32 $0xFFFFFFFF  }
0x96: {  	s16 =	sld [smem:$0x10];
	(tm) =	ssettm $0x1  }
0x97: {  	s17 =	sld [smem:$0x3FFB];
	_ =	sdelay $0x3  }
0x98: {  	_ =	strace s17  }
0x99: {  	s4 =	sld [smem:$0x3FFC];
	_ =	sdelay $0x3  }
0x9a: {  	_ =	strace s4  }
0x9b: {  	s4 =	sld [smem:$0x3FFD];
	_ =	sdelay $0x3  }
0x9c: {  	_ =	strace s4  }
0x9d: {  	_ =	strace $0x8FFFFFFF  }
0x9e: {  	s18 =	sld [smem:$0x3FDB];
	_ =	sdelay $0x1  }
0x9f: {  	s19 =	simm.s32 $_scs_section_size  }
0xa0: {  	s6 =	simm.s32 $_size__tile_overlayer_lowered;
	s7 =	simm.s32 $_tile_overlayer_lowered  }
0xa1: {  	s22 =	simm.s32 $0x1BFF;
	s21 =	sshll.u32 s7, $0x1;
	s4 =	sadd.s32 s19, s18  }
0xa2: {  	s8 =	simm.s32 $0x0;
	s20 =	sshll.u32 s6, $0x1;
	s6 =	sadd.s32 s21, s4  }
0xa3: {  	[timem:s8], [sflag:s22] =	dma.local [hbm:s6], s20  }
0xa4: {  	_ =	swait.ge [sflag:s22], s20  }
0xa5: {  	s5 =	ssub.s32 $0x0, s20;
	[sflag:s22] =	ssyncset.done $0x0  }
0xa6: {  	[sflag:s22] =	ssyncadd.s32 s5;
	_ =	sdelay $0x1  }
0xa7: {  	s23 =	simm.s32 $0x1B8B  }
0xa8: {  	_ =	swait.ge [sflag:s23], $0x1  }
0xa9: {  	[sflag:s23] =	ssyncset.done $0x0  }
0xaa: {  	s25 =	simm.s32 $0x1B8E;
	s24 =	sld [smem:$0x3FFE];
	[sflag:s23] =	ssyncadd.s32 $0xFFFFFFFF  }
0xab: {  	s26 =	simm.s32 $execute0_lowered;
	[smem:$0x3FD2] =	sst s25  }
0xac: {  	s6 =	sshll.u32 s26, $0x1;
	_ =	strace $0x80000046;
	[dreg:$0x1] =	wrdreg $0xFFFFFFFF  }
0xad: {  	s28 =	simm.s32 $_size_execute0_lowered;
	s4 =	sadd.s32 s4, s6;
	[dreg:$0x0] =	wrdreg $0x0  }
0xae: {  	s6 =	sshll.u32 s28, $0x1;
	[dreg:$0x2] =	wrdreg s4  }
0xaf: {  	[dreg:$0x3] =	wrdreg s6  }
0xb0: {  	[dreg:$0x4] =	wrdreg $0xC0  }
0xb1: {  	_ =	task [dreg:s8], $0x5FFFF  }
0xb2: {  	[dreg:$0x1] =	wrdreg $0xFFFFFFFF  }
0xb3: {  	[dreg:$0x0] =	wrdreg $0x60  }
0xb4: {  	[dreg:$0x2] =	wrdreg s15  }
0xb5: {  	[dreg:$0x3] =	wrdreg s24  }
0xb6: {  	[dreg:$0x4] =	wrdreg s16  }
0xb7: {  	[dreg:$0x5] =	wrdreg $0x9  }
0xb8: {  	_ =	task.clear_ibuf [dreg:s8], $0x6FFFF;
	_ =	strace $0x90000046  }
0xb9: {  	s29 =	simm.s32 $0x9;
	_ =	strace $0x80000048  }
0xba: {  	_ =	swait.ge [sflag:s29], $0x1  }
0xbb: {  	[sflag:s29] =	ssyncadd.s32 $0xFFFFFFFF  }
0xbc: {  	_ =	strace $0x90000048  }
0xbd: {  	_ =	sfence  }
0xbe: {  	s30 =	sld [smem:$0x0];
	_ =	sdelay $0x2  }
0xbf: {  	s31 =	sshll.u32 s1, $0xD;
	s1 =	sshrl.u32 s1, $0x2  }
0xc0: {  	s3 =	sand.u32 $0x4000, s31;
	s1 =	sadd.s32 s1, s30  }
0xc1: {  	s0 =	sor.u32 s3, s0;
	s1 =	sshll.u32 s1, $0x11  }
0xc2: {  	s0 =	sor.u32 s1, s0  }
0xc3: {  	s0 =	sadd.s32 $0x8F2B, s0  }
0xc4: {  	[sflag:s0] =	ssyncadd.remote.s32 $0x1  }
0xc5: {  	_ =	sfence.sel $0xFFFF  }
0xc6: {  	[dreg:$0x0] =	wrdreg $0xFFFFFFFF;
	(pc) =	sbr.abs _section_cstart, $3  }
0xc7: {  	[dreg:$0x1] =	wrdreg $0xFFFFFFFF  }
0xc8: {  	_ =	task.clear_ibuf [dreg:s8], $0x2FFFF;
	_ =	strace $0x9FFFFFFF  }
0xc9: {  	(tm) =	ssettm $0x7FFFFFFF  }
tec
execute0_lowered:
.L_overlay_start_1:
0x0: {  	(tag) =	ssettag $0x1  }
0x1: {  	s26 =	rddreg [dreg:$0x0]  }
0x2: {  	s0 =	rddreg [dreg:$0x1]  }
0x3: {  	s2 =	rddreg [dreg:$0x2];
	s3 =	simm.s32 $0x0;
	s4 =	srdreg.scid  }
0x4: {  	s1 =	stileid.u32;
	[smem:$0x7FF] =	sst s3;
	s4 =	sand.u32 $0x1, s4  }
0x5: {  	s5 =	sshll.u32 s1, $0x1;
	s7 =	sshrl.u32 s1, $0x2;
	s9 =	sadd.s32 $0x800, s26  }
0x6: {  	s10 =	sadd.s32 $0xA00, s26;
	s11 =	sadd.s32 $0xC00, s26;
	s12 =	sadd.s32 $0xE00, s26  }
0x7: {  	s13 =	sadd.s32 $0x1000, s26;
	s14 =	sadd.s32 $0x1200, s26;
	s15 =	sadd.s32 $0x1400, s26  }
0x8: {  	s16 =	sadd.s32 $0x1600, s26;
	s17 =	sadd.s32 $0x1800, s26;
	s18 =	sadd.s32 $0x1A00, s26  }
0x9: {  	s19 =	sadd.s32 $0x1C00, s26;
	s21 =	sshll.u32 s1, $0x13;
	s20 =	sadd.s32 $0x1E00, s26  }
0xa: {  	_ =	strace $0x80000047;
	s5 =	sor.u32 s4, s5;
	s8 =	sshll.u32 s7, $0xB  }
0xb: {  	s7 =	sshll.u32 s7, $0xA;
	s25 =	ssub.s32 $0x2, s4;
	s2 =	sadd.s32 s21, s2  }
0xc: {  	s4 =	sshll.u32 s4, $0x12;
	s6 =	sshll.u32 s5, $0xA;
	s5 =	sshll.u32 s5, $0x7  }
0xd: {  	s28 =	sshrl.u32 s25, $0x1;
	s31 =	sadd.s32 s4, s2;
	s5 =	sand.u32 $0x380, s5  }
0xe: {  	s4 =	simm.s32 $0xA180;
	s6 =	sadd.s32 s6, s0;
	s8 =	sor.u32 s8, s5  }
0xf: {  	s5 =	sor.u32 s7, s5;
	s6 =	sadd.s32 $0x1400, s6;
	s24 =	sshrl.u32 s8, $0x3  }
0x10: {  	s5 =	sshrl.u32 s5, $0x3;
	[dreg:$0x4] =	wrdreg s6;
	s6 =	sadd.s32 $0x200, s26  }
0x11: {  	s8 =	sadd.s32 $0x600, s26;
	s7 =	sadd.s32 s24, s0;
	s0 =	sadd.s32 s5, s0  }
.Ltmp0:
0x12: {  	s5 =	ssub.s32 s25, s28;
	s29 =	sadd.s32 $0x9400, s7;
	(pc) =	sbr.rel .LBB2_1-.Ltmp0, $4  }
0x13: {  	s24 =	simm.s32 $0x3;
	s0 =	sadd.s32 $0x9800, s0;
	[dreg:$0x5] =	wrdreg s29  }
0x14: {  	v0 =	vlaneseq.u32;
	s25 =	simm.s32 $0x400;
	s30 =	smax.u32 s5, $0x1;
	[dreg:$0x6] =	wrdreg s0  }
0x15: {  	v1 =	vimm.f32 $0.0e+00;
	v3 =	vshrl.u32 v0, $0x2;
	s7 =	sadd.s32 $0x400, s26;
	[dreg:$0x7] =	wrdreg s30;
	s0 =	sadd.s32 $0x40, s31  }
0x16: {  	vm0 =	vmmov $0xffff;
	v2 =	vand.u32 $0x3, v0;
	v3 =	vmul.u32 $0x8, v3;
	s5 =	simm.s32 $0x2;
	[dreg:$0x8] =	wrdreg s0;
	s0 =	simm.s32 $0x0  }
.LBB2_4:
0x17: {  	s1 =	rddreg [dreg:$0x6];
	s0 =	simm.s32 $0x12180  }
0x18: {  	[hbm4b:s1+s3] =	stream.linear.scatter [tilespmem:s0], [sflag:$0x3], $0x80, $0x38;
	[tilespmem:$0x12200] =	vst v63  }
0x19: {  	_ =	swait.ge [sflag:s24], $0x80  }
0x1a: {  	s30 =	rddreg [dreg:$0x9]  }
0x1b: {  	s31 =	rddreg [dreg:$0x7];
	s0 =	sadd.s32 $0x1, s30  }
0x1c: {  	p0 =	sne.s32 s0, s31  }
.Ltmp1:
0x1d: {  	_ = 	snop;
	(pc) =	sbr.rel @!p0 .LBB2_5-.Ltmp1, $3  }
0x1e: {  	_ =	sdelay $0x1  }
0x1f: {  	[sflag:s24] =	ssyncset.done $0x0  }
0x20: {  	[sflag:s24] =	ssyncadd.s32 $0xFFFFFF80  }
.LBB2_1:
0x21: {  	[dreg:$0x9] =	wrdreg s0  }
0x22: {  	s1 =	rddreg [dreg:$0x4]  }
0x23: {  	[tilespmem:s3], [sflag:$0x3] =	stream.linear.gather [hbm4b:s1+s3], $0x2000, $0x38;
	[tilespmem:$0x12200] =	vst v63  }
0x24: {  	_ =	swait.ge [sflag:s24], $0x2000  }
0x25: {  	s21 =	simm.s32 $0x80;
	[sflag:s24] =	ssyncset.done $0x0  }
0x26: {  	s2 =	simm.s32 $0x2000;
	s31 =	rddreg [dreg:$0x5];
	[sflag:s24] =	ssyncadd.s32 $0xFFFFE000  }
0x27: {  	[tilespmem:s2], [sflag:$0x3] =	stream.strided.gather [hbm4b:s31+s21], $0x100, s25, s21, $0x38;
	[tilespmem:$0x12200] =	vst v63  }
0x28: {  	_ =	swait.ge [sflag:s24], $0x100  }
0x29: {  	[sflag:s24] =	ssyncset.done $0x0  }
0x2a: {  	[sflag:s24] =	ssyncadd.s32 $0xFFFFFF00  }
0x2b: {  	v4 =	vld.msk [tilespmem:$0x0], $0xf;
	_ =	sdelay $0x4  }
0x2c: {  	v5 =	vshll.u32 v4, $0x6  }
0x2d: {  	v4 =	vand.u32 $0x7, v4;
	v5 =	vand.u32 $0xFFFFFE00, v5  }
0x2e: {  	v4 =	vor.u32 v4, v5  }
0x2f: {  	v4 =	vperm.xlane v4, v2;
	_ =	sdelay $0x1  }
0x30: {  	v4 =	vadd.s32 v3, v4;
	_ =	sdelay $0x3  }
0x31: {  	s0 =	simm.s32 $0x2180;
	[tilespmem:$0x12180] =	vst v1  }
0x32: {  	[tilespmem:s0], [sflag:$0x1] =	stream.indirect_vreg.gather [hbm4b:s26+s3], $0x80, v4, vm0, $0xb8;
	[tilespmem:$0x12200] =	vst v63  }
0x33: {  	s2 =	simm.s32 $0x2980  }
0x34: {  	[tilespmem:s2], [sflag:$0x1] =	stream.indirect_vreg.gather [hbm4b:s6+s3], $0x80, v4, vm0, $0xb8;
	[tilespmem:$0x12200] =	vst v63  }
0x35: {  	s21 =	simm.s32 $0x3180  }
0x36: {  	[tilespmem:s21], [sflag:$0x1] =	stream.indirect_vreg.gather [hbm4b:s7+s3], $0x80, v4, vm0, $0xb8;
	[tilespmem:$0x12200] =	vst v63  }
0x37: {  	s22 =	simm.s32 $0x3980  }
0x38: {  	[tilespmem:s22], [sflag:$0x1] =	stream.indirect_vreg.gather [hbm4b:s8+s3], $0x80, v4, vm0, $0xb8;
	[tilespmem:$0x12200] =	vst v63  }
0x39: {  	s23 =	simm.s32 $0x4180  }
0x3a: {  	[tilespmem:s23], [sflag:$0x1] =	stream.indirect_vreg.gather [hbm4b:s9+s3], $0x80, v4, vm0, $0xb8;
	[tilespmem:$0x12200] =	vst v63  }
0x3b: {  	s25 =	simm.s32 $0x4980  }
0x3c: {  	[tilespmem:s25], [sflag:$0x1] =	stream.indirect_vreg.gather [hbm4b:s10+s3], $0x80, v4, vm0, $0xb8;
	[tilespmem:$0x12200] =	vst v63  }
0x3d: {  	s28 =	simm.s32 $0x5180  }
0x3e: {  	[tilespmem:s28], [sflag:$0x1] =	stream.indirect_vreg.gather [hbm4b:s11+s3], $0x80, v4, vm0, $0xb8;
	[tilespmem:$0x12200] =	vst v63  }
0x3f: {  	s29 =	simm.s32 $0x5980  }
0x40: {  	[tilespmem:s29], [sflag:$0x1] =	stream.indirect_vreg.gather [hbm4b:s12+s3], $0x80, v4, vm0, $0xb8;
	[tilespmem:$0x12200] =	vst v63  }
0x41: {  	s30 =	simm.s32 $0x6180  }
0x42: {  	[tilespmem:s30], [sflag:$0x1] =	stream.indirect_vreg.gather [hbm4b:s13+s3], $0x80, v4, vm0, $0xb8;
	[tilespmem:$0x12200] =	vst v63  }
0x43: {  	s31 =	simm.s32 $0x6980  }
0x44: {  	[tilespmem:s31], [sflag:$0x1] =	stream.indirect_vreg.gather [hbm4b:s14+s3], $0x80, v4, vm0, $0xb8;
	[tilespmem:$0x12200] =	vst v63  }
0x45: {  	s0 =	simm.s32 $0x7180  }
0x46: {  	[tilespmem:s0], [sflag:$0x1] =	stream.indirect_vreg.gather [hbm4b:s15+s3], $0x80, v4, vm0, $0xb8;
	[tilespmem:$0x12200] =	vst v63  }
0x47: {  	s2 =	simm.s32 $0x7980  }
0x48: {  	[tilespmem:s2], [sflag:$0x1] =	stream.indirect_vreg.gather [hbm4b:s16+s3], $0x80, v4, vm0, $0xb8;
	[tilespmem:$0x12200] =	vst v63  }
0x49: {  	s21 =	simm.s32 $0x8180  }
0x4a: {  	[tilespmem:s21], [sflag:$0x1] =	stream.indirect_vreg.gather [hbm4b:s17+s3], $0x80, v4, vm0, $0xb8;
	[tilespmem:$0x12200] =	vst v63  }
0x4b: {  	s22 =	simm.s32 $0x8980  }
0x4c: {  	[tilespmem:s22], [sflag:$0x1] =	stream.indirect_vreg.gather [hbm4b:s18+s3], $0x80, v4, vm0, $0xb8;
	[tilespmem:$0x12200] =	vst v63  }
0x4d: {  	s23 =	simm.s32 $0x9180  }
0x4e: {  	[tilespmem:s23], [sflag:$0x1] =	stream.indirect_vreg.gather [hbm4b:s19+s3], $0x80, v4, vm0, $0xb8;
	[tilespmem:$0x12200] =	vst v63  }
0x4f: {  	s25 =	simm.s32 $0x9980  }
0x50: {  	[tilespmem:s25], [sflag:$0x1] =	stream.indirect_vreg.gather [hbm4b:s20+s3], $0x80, v4, vm0, $0xb8;
	[tilespmem:$0x12200] =	vst v63  }
0x51: {  	v4 =	vld.msk [tilespmem:$0x80], $0xf;
	_ =	sdelay $0x4  }
0x52: {  	v5 =	vshll.u32 v4, $0x6  }
0x53: {  	v4 =	vand.u32 $0x7, v4;
	v5 =	vand.u32 $0xFFFFFE00, v5  }
0x54: {  	v4 =	vor.u32 v4, v5  }
0x55: {  	v4 =	vperm.xlane v4, v2;
	_ =	sdelay $0x1  }
0x56: {  	v4 =	vadd.s32 v3, v4;
	_ =	sdelay $0x4  }
0x57: {  	[tilespmem:s4], [sflag:$0x2] =	stream.indirect_vreg.gather [hbm4b:s26+s3], $0x80, v4, vm0, $0xb8;
	[tilespmem:$0x12200] =	vst v63  }
0x58: {  	s28 =	simm.s32 $0xA980  }
0x59: {  	[tilespmem:s28], [sflag:$0x2] =	stream.indirect_vreg.gather [hbm4b:s6+s3], $0x80, v4, vm0, $0xb8;
	[tilespmem:$0x12200] =	vst v63  }
0x5a: {  	s29 =	simm.s32 $0xB180  }
0x5b: {  	[tilespmem:s29], [sflag:$0x2] =	stream.indirect_vreg.gather [hbm4b:s7+s3], $0x80, v4, vm0, $0xb8;
	[tilespmem:$0x12200] =	vst v63  }
0x5c: {  	s30 =	simm.s32 $0xB980  }
0x5d: {  	[tilespmem:s30], [sflag:$0x2] =	stream.indirect_vreg.gather [hbm4b:s8+s3], $0x80, v4, vm0, $0xb8;
	[tilespmem:$0x12200] =	vst v63  }
0x5e: {  	s31 =	simm.s32 $0xC180  }
0x5f: {  	[tilespmem:s31], [sflag:$0x2] =	stream.indirect_vreg.gather [hbm4b:s9+s3], $0x80, v4, vm0, $0xb8;
	[tilespmem:$0x12200] =	vst v63  }
0x60: {  	s0 =	simm.s32 $0xC980  }
0x61: {  	[tilespmem:s0], [sflag:$0x2] =	stream.indirect_vreg.gather [hbm4b:s10+s3], $0x80, v4, vm0, $0xb8;
	[tilespmem:$0x12200] =	vst v63  }
0x62: {  	s2 =	simm.s32 $0xD180  }
0x63: {  	[tilespmem:s2], [sflag:$0x2] =	stream.indirect_vreg.gather [hbm4b:s11+s3], $0x80, v4, vm0, $0xb8;
	[tilespmem:$0x12200] =	vst v63  }
0x64: {  	s4 =	simm.s32 $0xD980  }
0x65: {  	[tilespmem:s4], [sflag:$0x2] =	stream.indirect_vreg.gather [hbm4b:s12+s3], $0x80, v4, vm0, $0xb8;
	[tilespmem:$0x12200] =	vst v63  }
0x66: {  	s21 =	simm.s32 $0xE180  }
0x67: {  	[tilespmem:s21], [sflag:$0x2] =	stream.indirect_vreg.gather [hbm4b:s13+s3], $0x80, v4, vm0, $0xb8;
	[tilespmem:$0x12200] =	vst v63  }
0x68: {  	s22 =	simm.s32 $0xE980  }
0x69: {  	[tilespmem:s22], [sflag:$0x2] =	stream.indirect_vreg.gather [hbm4b:s14+s3], $0x80, v4, vm0, $0xb8;
	[tilespmem:$0x12200] =	vst v63  }
0x6a: {  	s23 =	simm.s32 $0xF180  }
0x6b: {  	[tilespmem:s23], [sflag:$0x2] =	stream.indirect_vreg.gather [hbm4b:s15+s3], $0x80, v4, vm0, $0xb8;
	[tilespmem:$0x12200] =	vst v63  }
0x6c: {  	s25 =	simm.s32 $0xF980  }
0x6d: {  	[tilespmem:s25], [sflag:$0x2] =	stream.indirect_vreg.gather [hbm4b:s16+s3], $0x80, v4, vm0, $0xb8;
	[tilespmem:$0x12200] =	vst v63  }
0x6e: {  	s28 =	simm.s32 $0x10180  }
0x6f: {  	[tilespmem:s28], [sflag:$0x2] =	stream.indirect_vreg.gather [hbm4b:s17+s3], $0x80, v4, vm0, $0xb8;
	[tilespmem:$0x12200] =	vst v63  }
0x70: {  	s29 =	simm.s32 $0x10980  }
0x71: {  	[tilespmem:s29], [sflag:$0x2] =	stream.indirect_vreg.gather [hbm4b:s18+s3], $0x80, v4, vm0, $0xb8;
	[tilespmem:$0x12200] =	vst v63  }
0x72: {  	s30 =	simm.s32 $0x11180;
	s31 =	simm.s32 $0x11980;
	s4 =	simm.s32 $0xA180  }
0x73: {  	[tilespmem:s30], [sflag:$0x2] =	stream.indirect_vreg.gather [hbm4b:s19+s3], $0x80, v4, vm0, $0xb8;
	[tilespmem:$0x12200] =	vst v63  }
0x74: {  	s21 =	simm.s32 $0x180;
	s22 =	rddreg [dreg:$0x8];
	s23 =	simm.s32 $0x0  }
0x75: {  	[tilespmem:s31], [sflag:$0x2] =	stream.indirect_vreg.gather [hbm4b:s20+s3], $0x80, v4, vm0, $0xb8;
	[tilespmem:$0x12200] =	vst v63  }
.LBB2_2:
0x76: {  	s29 =	sshra.s32 s23, $0x2  }
0x77: {  	v4 =	vld [tilespmem:s29+$0x2000];
	_ =	sdelay $0x2  }
0x78: {  	s0 =	simm.s32 $0x1  }
0x79: {  	_ =	swait.ge [sflag:s0], $0x8000  }
0x7a: {  	(v2sf) =	vpush v4, $0x0;
	_ =	sdelay $0x1  }
0x7b: {  	(v2sf) =	vpush v4, $0x1;
	_ =	sdelay $0x1  }
0x7c: {  	(v2sf) =	vpush v4, $0x2;
	_ =	sdelay $0x1  }
0x7d: {  	(v2sf) =	vpush v4, $0x3;
	_ =	sdelay $0x8  }
0x7e: {  	s29 =	spop (v2sf)  }
0x7f: {  	[sflag:s0] =	ssyncset.done $0x0;
	s25 =	sshll.u32 s29, $0x2  }
0x80: {  	s28 =	sand.u32 $0x70, s29;
	s30 =	spop (v2sf);
	s25 =	sand.u32 $0x7E00, s25  }
0x81: {  	[sflag:s0] =	ssyncadd.s32 $0xFFFF8000;
	s0 =	sshll.u32 s30, $0x2;
	s25 =	sor.u32 s28, s25  }
0x82: {  	s1 =	sand.u32 $0x70, s30;
	s31 =	spop (v2sf);
	s28 =	sand.u32 $0x7E00, s0;
	v5 =	vld [tilespmem:s25+$0x2180]  }
0x83: {  	s2 =	sshll.u32 s31, $0x2;
	s25 =	sor.u32 s1, s28  }
0x84: {  	s0 =	sand.u32 $0x70, s31;
	s28 =	sand.u32 $0x7E00, s2;
	s1 =	spop (v2sf);
	v6 =	vld [tilespmem:s25+$0x2200]  }
0x85: {  	s29 =	sand.u32 $0xF, s29;
	s25 =	sor.u32 s0, s28;
	s2 =	sshll.u32 s1, $0x2  }
0x86: {  	s30 =	sand.u32 $0xF, s30;
	s0 =	sand.u32 $0x70, s1;
	v7 =	vld [tilespmem:s25+$0x2280];
	s28 =	sand.u32 $0x7E00, s2  }
0x87: {  	v8 =	vmov s29;
	v9 =	vmov s30;
	s25 =	sor.u32 s0, s28;
	v5 =	vadd.f32 $0.0e+00, v5  }
0x88: {  	vm1 =	veq.s32 v8, v0;
	vm2 =	veq.s32 v9, v0;
	s2 =	sand.u32 $0xF, s31;
	v53 =	vld [tilespmem:s25+$0x2300]  }
0x89: {  	v54 =	vmov s2;
	v6 =	vnsel vm2, $0x0, v6;
	v5 =	vnsel vm1, $0x0, v5  }
0x8a: {  	s1 =	sand.u32 $0xF, s1;
	vm1 =	veq.s32 v54, v0;
	v5 =	vadd.f32 v6, v5  }
0x8b: {  	v55 =	vld [tilespmem:$0x12180];
	v56 =	vmov s1;
	v7 =	vnsel vm1, $0x0, v7  }
0x8c: {  	vm1 =	veq.s32 v56, v0;
	v5 =	vadd.f32 v7, v5  }
0x8d: {  	v57 =	vnsel vm1, $0x0, v53  }
0x8e: {  	v5 =	vadd.f32 v57, v5;
	_ =	sdelay $0x1  }
0x8f: {  	v5 =	vadd.f32 v5, v55  }
0x90: {  	s29 =	sadd.s32 $0xFFFFFFC0, s22  }
0x91: {  	s30 =	simm.s32 $0x2180;
	s2 =	simm.s32 $0x400;
	s0 =	simm.s32 $0x200;
	[tilespmem:$0x12180] =	vst v5  }
0x92: {  	[hbm4b:s29+s0] =	stream.strided.scatter [tilespmem:s30], [sflag:$0x3], $0x8000, s2, s0, $0x38;
	[tilespmem:$0x12200] =	vst v63  }
0x93: {  	_ =	swait.ge [sflag:s24], $0x8000  }
0x94: {  	[sflag:s24] =	ssyncset.done $0x0  }
0x95: {  	p0 =	seq.s32 s23, $0x3E0;
	[sflag:s24] =	ssyncadd.s32 $0xFFFF8000  }
0x96: {  	v5 =	vld.msk @!p0 [tilespmem:s21+$0xFFFFFF80], $0xf;
	_ =	sdelay $0x4  }
0x97: {  	v6 =	vshll.u32 @!p0 v5, $0x6  }
0x98: {  	v7 =	vlaneseq.u32 @!p0;
	v5 =	vand.u32 @!p0 $0x7, v5;
	v6 =	vand.u32 @!p0 $0xFFFFFE00, v6  }
0x99: {  	v5 =	vor.u32 @!p0 v5, v6;
	v6 =	vand.u32 @!p0 $0x3, v7;
	v7 =	vshrl.u32 @!p0 v7, $0x2  }
0x9a: {  	v5 =	vperm.xlane @!p0 v5, v6;
	v6 =	vmul.u32 @!p0 $0x8, v7;
	_ =	sdelay $0x1  }
0x9b: {  	v5 =	vadd.s32 @!p0 v6, v5;
	_ =	sdelay $0x3  }
0x9c: {  	s1 =	simm.s32 @!p0 $0x0;
	s25 =	simm.s32 @!p0 $0x2180;
	vm1 =	vmmov @!p0 $0xffff  }
0x9d: {  	[tilespmem:s25], [sflag:$0x1] =	stream.indirect_vreg.gather @!p0 [hbm4b:s26+s1], $0x80, v5, vm1, $0xb8;
	[tilespmem:$0x12200] =	vst v63  }
0x9e: {  	s25 =	simm.s32 @!p0 $0x2980  }
0x9f: {  	[tilespmem:s25], [sflag:$0x1] =	stream.indirect_vreg.gather @!p0 [hbm4b:s6+s1], $0x80, v5, vm1, $0xb8;
	[tilespmem:$0x12200] =	vst v63  }
0xa0: {  	s25 =	simm.s32 @!p0 $0x3180  }
0xa1: {  	[tilespmem:s25], [sflag:$0x1] =	stream.indirect_vreg.gather @!p0 [hbm4b:s7+s1], $0x80, v5, vm1, $0xb8;
	[tilespmem:$0x12200] =	vst v63  }
0xa2: {  	s25 =	simm.s32 @!p0 $0x3980  }
0xa3: {  	[tilespmem:s25], [sflag:$0x1] =	stream.indirect_vreg.gather @!p0 [hbm4b:s8+s1], $0x80, v5, vm1, $0xb8;
	[tilespmem:$0x12200] =	vst v63  }
0xa4: {  	s25 =	simm.s32 @!p0 $0x4180  }
0xa5: {  	[tilespmem:s25], [sflag:$0x1] =	stream.indirect_vreg.gather @!p0 [hbm4b:s9+s1], $0x80, v5, vm1, $0xb8;
	[tilespmem:$0x12200] =	vst v63  }
0xa6: {  	s25 =	simm.s32 @!p0 $0x4980  }
0xa7: {  	[tilespmem:s25], [sflag:$0x1] =	stream.indirect_vreg.gather @!p0 [hbm4b:s10+s1], $0x80, v5, vm1, $0xb8;
	[tilespmem:$0x12200] =	vst v63  }
0xa8: {  	s25 =	simm.s32 @!p0 $0x5180  }
0xa9: {  	[tilespmem:s25], [sflag:$0x1] =	stream.indirect_vreg.gather @!p0 [hbm4b:s11+s1], $0x80, v5, vm1, $0xb8;
	[tilespmem:$0x12200] =	vst v63  }
0xaa: {  	s25 =	simm.s32 @!p0 $0x5980  }
0xab: {  	[tilespmem:s25], [sflag:$0x1] =	stream.indirect_vreg.gather @!p0 [hbm4b:s12+s1], $0x80, v5, vm1, $0xb8;
	[tilespmem:$0x12200] =	vst v63  }
0xac: {  	s25 =	simm.s32 @!p0 $0x6180  }
0xad: {  	[tilespmem:s25], [sflag:$0x1] =	stream.indirect_vreg.gather @!p0 [hbm4b:s13+s1], $0x80, v5, vm1, $0xb8;
	[tilespmem:$0x12200] =	vst v63  }
0xae: {  	s25 =	simm.s32 @!p0 $0x6980  }
0xaf: {  	[tilespmem:s25], [sflag:$0x1] =	stream.indirect_vreg.gather @!p0 [hbm4b:s14+s1], $0x80, v5, vm1, $0xb8;
	[tilespmem:$0x12200] =	vst v63  }
0xb0: {  	s25 =	simm.s32 @!p0 $0x7180  }
0xb1: {  	[tilespmem:s25], [sflag:$0x1] =	stream.indirect_vreg.gather @!p0 [hbm4b:s15+s1], $0x80, v5, vm1, $0xb8;
	[tilespmem:$0x12200] =	vst v63  }
0xb2: {  	s25 =	simm.s32 @!p0 $0x7980  }
0xb3: {  	[tilespmem:s25], [sflag:$0x1] =	stream.indirect_vreg.gather @!p0 [hbm4b:s16+s1], $0x80, v5, vm1, $0xb8;
	[tilespmem:$0x12200] =	vst v63  }
0xb4: {  	s25 =	simm.s32 @!p0 $0x8180  }
0xb5: {  	[tilespmem:s25], [sflag:$0x1] =	stream.indirect_vreg.gather @!p0 [hbm4b:s17+s1], $0x80, v5, vm1, $0xb8;
	[tilespmem:$0x12200] =	vst v63  }
0xb6: {  	s25 =	simm.s32 @!p0 $0x8980  }
0xb7: {  	[tilespmem:s25], [sflag:$0x1] =	stream.indirect_vreg.gather @!p0 [hbm4b:s18+s1], $0x80, v5, vm1, $0xb8;
	[tilespmem:$0x12200] =	vst v63  }
0xb8: {  	s25 =	simm.s32 @!p0 $0x9180  }
0xb9: {  	[tilespmem:s25], [sflag:$0x1] =	stream.indirect_vreg.gather @!p0 [hbm4b:s19+s1], $0x80, v5, vm1, $0xb8;
	[tilespmem:$0x12200] =	vst v63  }
0xba: {  	s25 =	simm.s32 @!p0 $0x9980  }
0xbb: {  	[tilespmem:s25], [sflag:$0x1] =	stream.indirect_vreg.gather @!p0 [hbm4b:s20+s1], $0x80, v5, vm1, $0xb8;
	[tilespmem:$0x12200] =	vst v63  }
0xbc: {  	_ =	swait.ge [sflag:s5], $0x8000  }
0xbd: {  	(v2sf) =	vpush v4, $0x4;
	_ =	sdelay $0x1  }
0xbe: {  	(v2sf) =	vpush v4, $0x5;
	_ =	sdelay $0x1  }
0xbf: {  	(v2sf) =	vpush v4, $0x6;
	_ =	sdelay $0x1  }
0xc0: {  	(v2sf) =	vpush v4, $0x7;
	_ =	sdelay $0x8  }
0xc1: {  	s1 =	spop (v2sf)  }
0xc2: {  	[sflag:s5] =	ssyncset.done $0x0;
	s31 =	sshll.u32 s1, $0x2  }
0xc3: {  	s25 =	spop (v2sf);
	s30 =	sand.u32 $0x70, s1;
	s28 =	sand.u32 $0x7E00, s31  }
0xc4: {  	[sflag:s5] =	ssyncadd.s32 $0xFFFF8000;
	s29 =	sshll.u32 s25, $0x2;
	s28 =	sor.u32 s30, s28  }
0xc5: {  	s31 =	sand.u32 $0x70, s25;
	s30 =	spop (v2sf);
	s29 =	sand.u32 $0x7E00, s29;
	v4 =	vld [tilespmem:s28+$0xA180]  }
0xc6: {  	s28 =	sor.u32 s31, s29;
	s31 =	sshll.u32 s30, $0x2  }
0xc7: {  	v5 =	vld [tilespmem:s28+$0xA200];
	s28 =	sand.u32 $0x70, s30;
	s29 =	sand.u32 $0x7E00, s31;
	s31 =	spop (v2sf)  }
0xc8: {  	s1 =	sand.u32 $0xF, s1;
	s28 =	sor.u32 s28, s29;
	s29 =	sshll.u32 s31, $0x2  }
0xc9: {  	s25 =	sand.u32 $0xF, s25;
	v58 =	vld [tilespmem:s28+$0xA280];
	s28 =	sand.u32 $0x70, s31;
	s29 =	sand.u32 $0x7E00, s29  }
0xca: {  	v59 =	vmov s1;
	v60 =	vmov s25;
	s29 =	sor.u32 s28, s29;
	v4 =	vadd.f32 $0.0e+00, v4  }
0xcb: {  	vm1 =	veq.s32 v59, v0;
	vm2 =	veq.s32 v60, v0;
	s30 =	sand.u32 $0xF, s30;
	v61 =	vld [tilespmem:s29+$0xA300]  }
0xcc: {  	v62 =	vmov s30;
	v5 =	vnsel vm2, $0x0, v5;
	v4 =	vnsel vm1, $0x0, v4  }
0xcd: {  	s31 =	sand.u32 $0xF, s31;
	vm1 =	veq.s32 v62, v0;
	v4 =	vadd.f32 v5, v4  }
0xce: {  	v63 =	vld [tilespmem:$0x12180];
	v5 =	vmov s31;
	v6 =	vnsel vm1, $0x0, v58  }
0xcf: {  	vm1 =	veq.s32 v5, v0;
	v4 =	vadd.f32 v6, v4  }
0xd0: {  	v5 =	vnsel vm1, $0x0, v61  }
0xd1: {  	v4 =	vadd.f32 v5, v4;
	_ =	sdelay $0x1  }
0xd2: {  	v4 =	vadd.f32 v4, v63;
	_ =	sdelay $0x1  }
.Ltmp2:
0xd3: {  	[tilespmem:$0x12180] =	vst v4;
	(pc) =	sbr.rel @p0 .LBB2_4-.Ltmp2, $4  }
0xd4: {  	[hbm4b:s22+s0] =	stream.strided.scatter [tilespmem:s4], [sflag:$0x3], $0x8000, s2, s0, $0x38;
	[tilespmem:$0x12200] =	vst v63  }
0xd5: {  	_ =	swait.ge [sflag:s24], $0x8000  }
0xd6: {  	[sflag:s24] =	ssyncset.done $0x0  }
0xd7: {  	s25 =	simm.s32 $0x400;
	s4 =	simm.s32 $0xA180;
	[sflag:s24] =	ssyncadd.s32 $0xFFFF8000  }
0xd8: {  	v4 =	vld.msk [tilespmem:s21+$0x0], $0xf;
	_ =	sdelay $0x4  }
0xd9: {  	v5 =	vshll.u32 v4, $0x6  }
0xda: {  	v4 =	vand.u32 $0x7, v4;
	v5 =	vand.u32 $0xFFFFFE00, v5  }
0xdb: {  	v4 =	vor.u32 v4, v5  }
0xdc: {  	v4 =	vperm.xlane v4, v2;
	_ =	sdelay $0x1  }
0xdd: {  	v4 =	vadd.s32 v3, v4;
	_ =	sdelay $0x4  }
0xde: {  	[tilespmem:s4], [sflag:$0x2] =	stream.indirect_vreg.gather [hbm4b:s26+s3], $0x80, v4, vm0, $0xb8;
	[tilespmem:$0x12200] =	vst v63  }
0xdf: {  	s1 =	simm.s32 $0xA980  }
0xe0: {  	[tilespmem:s1], [sflag:$0x2] =	stream.indirect_vreg.gather [hbm4b:s6+s3], $0x80, v4, vm0, $0xb8;
	[tilespmem:$0x12200] =	vst v63  }
0xe1: {  	s4 =	simm.s32 $0xB180  }
0xe2: {  	[tilespmem:s4], [sflag:$0x2] =	stream.indirect_vreg.gather [hbm4b:s7+s3], $0x80, v4, vm0, $0xb8;
	[tilespmem:$0x12200] =	vst v63  }
0xe3: {  	s25 =	simm.s32 $0xB980  }
0xe4: {  	[tilespmem:s25], [sflag:$0x2] =	stream.indirect_vreg.gather [hbm4b:s8+s3], $0x80, v4, vm0, $0xb8;
	[tilespmem:$0x12200] =	vst v63  }
0xe5: {  	s28 =	simm.s32 $0xC180  }
0xe6: {  	[tilespmem:s28], [sflag:$0x2] =	stream.indirect_vreg.gather [hbm4b:s9+s3], $0x80, v4, vm0, $0xb8;
	[tilespmem:$0x12200] =	vst v63  }
0xe7: {  	s29 =	simm.s32 $0xC980  }
0xe8: {  	[tilespmem:s29], [sflag:$0x2] =	stream.indirect_vreg.gather [hbm4b:s10+s3], $0x80, v4, vm0, $0xb8;
	[tilespmem:$0x12200] =	vst v63  }
0xe9: {  	s30 =	simm.s32 $0xD180  }
0xea: {  	[tilespmem:s30], [sflag:$0x2] =	stream.indirect_vreg.gather [hbm4b:s11+s3], $0x80, v4, vm0, $0xb8;
	[tilespmem:$0x12200] =	vst v63  }
0xeb: {  	s31 =	simm.s32 $0xD980  }
0xec: {  	[tilespmem:s31], [sflag:$0x2] =	stream.indirect_vreg.gather [hbm4b:s12+s3], $0x80, v4, vm0, $0xb8;
	[tilespmem:$0x12200] =	vst v63  }
0xed: {  	s0 =	simm.s32 $0xE180  }
0xee: {  	[tilespmem:s0], [sflag:$0x2] =	stream.indirect_vreg.gather [hbm4b:s13+s3], $0x80, v4, vm0, $0xb8;
	[tilespmem:$0x12200] =	vst v63  }
0xef: {  	s2 =	simm.s32 $0xE980  }
0xf0: {  	[tilespmem:s2], [sflag:$0x2] =	stream.indirect_vreg.gather [hbm4b:s14+s3], $0x80, v4, vm0, $0xb8;
	[tilespmem:$0x12200] =	vst v63  }
0xf1: {  	s4 =	simm.s32 $0xF180  }
0xf2: {  	[tilespmem:s4], [sflag:$0x2] =	stream.indirect_vreg.gather [hbm4b:s15+s3], $0x80, v4, vm0, $0xb8;
	[tilespmem:$0x12200] =	vst v63  }
0xf3: {  	s25 =	simm.s32 $0xF980  }
0xf4: {  	[tilespmem:s25], [sflag:$0x2] =	stream.indirect_vreg.gather [hbm4b:s16+s3], $0x80, v4, vm0, $0xb8;
	[tilespmem:$0x12200] =	vst v63  }
0xf5: {  	s28 =	simm.s32 $0x10180  }
0xf6: {  	[tilespmem:s28], [sflag:$0x2] =	stream.indirect_vreg.gather [hbm4b:s17+s3], $0x80, v4, vm0, $0xb8;
	[tilespmem:$0x12200] =	vst v63  }
0xf7: {  	s29 =	simm.s32 $0x10980  }
0xf8: {  	[tilespmem:s29], [sflag:$0x2] =	stream.indirect_vreg.gather [hbm4b:s18+s3], $0x80, v4, vm0, $0xb8;
	[tilespmem:$0x12200] =	vst v63  }
.Ltmp3:
0xf9: {  	_ = 	snop;
	(pc) =	sbr.rel .LBB2_2-.Ltmp3, $4  }
0xfa: {  	s23 =	sadd.s32 $0x20, s23;
	s21 =	sadd.s32 $0x100, s21;
	s30 =	simm.s32 $0x11180  }
0xfb: {  	[tilespmem:s30], [sflag:$0x2] =	stream.indirect_vreg.gather [hbm4b:s19+s3], $0x80, v4, vm0, $0xb8;
	[tilespmem:$0x12200] =	vst v63  }
0xfc: {  	s22 =	sadd.s32 $0x2000, s22;
	s31 =	simm.s32 $0x11980;
	s4 =	simm.s32 $0xA180  }
0xfd: {  	[tilespmem:s31], [sflag:$0x2] =	stream.indirect_vreg.gather [hbm4b:s20+s3], $0x80, v4, vm0, $0xb8;
	[tilespmem:$0x12200] =	vst v63  }
.LBB2_5:
0xfe: {  	_ =	sfence.sel $0x180000  }
0xff: {  	[bflag:$0x0] =	sbarrier.arrive $0xFFFF  }
0x100: {  	_ =	strace $0x90000047  }
0x101: {  	s0 =	stileid.u32;
	[bflag:$0x2] =	sbarrier.arrive $0xFFFF  }
0x102: {  	p0 =	sne.s32 s0, $0x0;
	s0 =	rddreg [dreg:$0x3]  }
0x103: {  	s0 =	sadd.s32 @!p0 $0x100000, s0  }
0x104: {  	[sflag:s0] =	ssyncadd.tile.s32 @!p0 $0x1;
	_ =	shalt  }
.Lfunc_end2:
_tile_overlayer_lowered:
.L_overlay_start_2:
0x105: {  	(tag) =	ssettag $0x2  }
0x106: {  	s0 =	rddreg [dreg:$0x0];
	s2 =	stileid.u32  }
0x107: {  	s1 =	rddreg [dreg:$0x1];
	p0 =	sne.s32 s2, $0x0  }
0x108: {  	s3 =	rddreg [dreg:$0x2];
	[bflag:$0x3] =	sbarrier.arrive $0xFFFF;
	s2 =	simm.s32 @!p0 $0x1C03  }
0x109: {  	[timem:s3], [sflag:s2] =	dma.local @!p0 [hbm:s0], s1  }
0x10a: {  	s0 =	simm.s32 @!p0 $0x3  }
0x10b: {  	_ =	swait.ge @!p0 [sflag:s0], s1  }
0x10c: {  	s1 =	ssub.s32 @!p0 $0x0, s1;
	[sflag:s0] =	ssyncset.done @!p0 $0x0  }
0x10d: {  	[sflag:s0] =	ssyncadd.s32 @!p0 s1  }
0x10e: {  	[bflag:$0x3] =	sbarrier.arrive $0xFFFF  }
0x10f: {  	_ =	shalt  }

// kernel: kernel.9.cloned.1.call-start
scs
__scs_entry_jumppad:
0x0: {  	(pc) =	sbr.rel $0x88, $3  }
0x1: {  	(tag) =	ssettag $0x0;
	lr =	simm.s32 $0x1  }
0x2: {  	[smem:$0x3F9E] =	sst lr;
	_ =	strace $0xD0000000  }
0x3: {  	_ = 	snop  }
0x4: {  	_ = 	snop  }
0x5: {  	_ = 	snop  }
0x6: {  	_ = 	snop  }
0x7: {  	_ = 	snop  }
__scs_overlays_trampoline_lowered:
0x8: {  	[smem:$0x3FAD] =	sst s0  }
0x9: {  	[smem:$0x3FAE] =	sst s1  }
0xa: {  	[smem:$0x3FAF] =	sst s2  }
0xb: {  	[smem:$0x3FB0] =	sst s3  }
0xc: {  	[smem:$0x3FB1] =	sst s4  }
0xd: {  	[smem:$0x3FB2] =	sst s5  }
0xe: {  	[smem:$0x3FB3] =	sst s6  }
0xf: {  	[smem:$0x3FB4] =	sst s7  }
0x10: {  	[smem:$0x3FB5] =	sst s8  }
0x11: {  	[smem:$0x3FB6] =	sst s9;
	s0 =	simm.s32 @!p0 $0x0  }
0x12: {  	s1 =	sld [smem:$0x3F9C];
	s0 =	simm.s32 @p0 $0x1  }
0x13: {  	[smem:$0x3FB7] =	sst s0;
	s0 =	simm.s32 @!p1 $0x0  }
0x14: {  	s2 =	sld [smem:$0x3F9B];
	s0 =	simm.s32 @p1 $0x1  }
0x15: {  	[smem:$0x3FB8] =	sst s0;
	s0 =	simm.s32 @!p2 $0x0  }
0x16: {  	s3 =	sld [smem:$0x3FDB];
	s0 =	simm.s32 @p2 $0x1  }
0x17: {  	s4 =	simm.s32 $0x1BF5;
	[smem:$0x3FBA] =	sst s0  }
0x18: {  	s0 =	sld [smem:$0x3F9D];
	_ =	swait.ge [sflag:s4], $0x0  }
0x19: {  	s7 =	sld [smem:$0x3F9E]  }
0x1a: {  	s8 =	sadd.s32 $0xFFFFE003, lr  }
0x1b: {  	s9 =	sadd.s32 $0xFFFFFEF7, lr;
	s5 =	simm.s32 $0xFFFFFFFF;
	p2 =	slt.u32 s8, $0xFFFFF086  }
0x1c: {  	p1 =	slt.u32 s9, $0xF7A;
	s5 =	simm.s32 @!p2 $0x0  }
0x1d: {  	s5 =	simm.s32 @p1 $0x1;
	p0 =	seq.s32 s7, s2  }
0x1e: {  	s7 =	smul.u32 @!p0 $0xF7A, s2;
	p2 =	seq.s32 @!p0 s5, $0x0  }
0x1f: {  	s9 =	smul.u32 $0xF7A, s1;
	s8 =	simm.s32 @!p0 $0x1BF5;
	p2 =	por !p2, p0  }
0x20: {  	[sflag:s8] =	ssyncset.s32 @!p0 $0xFFFFF086;
	s6 =	sadd.s32 @!p0 s3, s7;
	s7 =	simm.s32 @!p0 $0x108  }
0x21: {  	s3 =	sadd.s32 s3, s9;
	s6 =	sadd.s32 @!p0 $0x88, s6;
	s7 =	simm.s32 @p2 $0x1082  }
0x22: {  	[simem:s7], [sflag:s8] =	dma.local @!p0 [hbm:s6], $0xF7A  }
0x23: {  	s9 =	sor.u32 $0xD0000000, s2;
	s6 =	simm.s32 $0x108;
	_ =	swait.ge @!p0 [sflag:s8], $0x0  }
0x24: {  	s3 =	sadd.s32 $0x88, s3;
	s6 =	simm.s32 @!p1 $0x1082;
	[sflag:s4] =	ssyncset.s32 $0xFFFFF086  }
0x25: {  	[simem:s6], [sflag:s4] =	dma.local [hbm:s3], $0xF7A  }
0x26: {  	[smem:$0x3F9E] =	sst s1;
	(tag) =	ssettag s2;
	_ =	strace s9  }
0x27: {  	s1 =	sld [smem:$0x3FAE]  }
0x28: {  	s2 =	sld [smem:$0x3FAF]  }
0x29: {  	s4 =	sld [smem:$0x3FB1]  }
0x2a: {  	p0 =	seq.s32 s5, $0x0;
	s5 =	sld [smem:$0x3FB2]  }
0x2b: {  	s6 =	sld [smem:$0x3FB3]  }
0x2c: {  	s7 =	sld [smem:$0x3FB4]  }
0x2d: {  	s3 =	simm.s32 $0x108;
	s8 =	sld [smem:$0x3FB5]  }
0x2e: {  	s3 =	simm.s32 @!p0 $0x1082;
	s9 =	sld [smem:$0x3FB6]  }
0x2f: {  	lr =	sadd.s32 s0, s3;
	s0 =	sld [smem:$0x3FAD]  }
0x30: {  	s3 =	sld [smem:$0x3FB0]  }
0x31: {  	[smem:$0x3FB9] =	sst s10  }
0x32: {  	s10 =	sld [smem:$0x3FB7];
	_ =	sdelay $0x3  }
0x33: {  	p0 =	seq.s32 s10, $0x1;
	s10 =	sld [smem:$0x3FB9];
	_ =	sdelay $0x3  }
0x34: {  	[smem:$0x3FB9] =	sst s10  }
0x35: {  	s10 =	sld [smem:$0x3FB8];
	_ =	sdelay $0x3  }
0x36: {  	p1 =	seq.s32 s10, $0x1;
	s10 =	sld [smem:$0x3FB9];
	_ =	sdelay $0x3  }
0x37: {  	[smem:$0x3FB9] =	sst s10  }
0x38: {  	s10 =	sld [smem:$0x3FBA]  }
0x39: {  	_ = 	snop;
	(pc) =	sbr.ind lr, $3  }
0x3a: {  	_ = 	snop  }
0x3b: {  	_ = 	snop  }
0x3c: {  	p2 =	seq.s32 s10, $0x1;
	s10 =	sld [smem:$0x3FB9]  }
0x3d: {  	_ =	shalt  }
0x3e: {  	_ =	shalt  }
0x3f: {  	_ =	shalt  }
0x40: {  	_ =	shalt  }
0x41: {  	_ =	shalt  }
0x42: {  	_ =	shalt  }
0x43: {  	_ =	shalt  }
0x44: {  	_ =	shalt  }
0x45: {  	_ =	shalt  }
0x46: {  	_ =	shalt  }
0x47: {  	_ =	shalt  }
0x48: {  	_ =	shalt  }
0x49: {  	_ =	shalt  }
0x4a: {  	_ =	shalt  }
0x4b: {  	_ =	shalt  }
0x4c: {  	_ =	shalt  }
0x4d: {  	_ =	shalt  }
0x4e: {  	_ =	shalt  }
0x4f: {  	_ =	shalt  }
0x50: {  	_ =	shalt  }
0x51: {  	_ =	shalt  }
0x52: {  	_ =	shalt  }
0x53: {  	_ =	shalt  }
0x54: {  	_ =	shalt  }
0x55: {  	_ =	shalt  }
0x56: {  	_ =	shalt  }
0x57: {  	_ =	shalt  }
0x58: {  	_ =	shalt  }
0x59: {  	_ =	shalt  }
0x5a: {  	_ =	shalt  }
0x5b: {  	_ =	shalt  }
0x5c: {  	_ =	shalt  }
0x5d: {  	_ =	shalt  }
0x5e: {  	_ =	shalt  }
0x5f: {  	_ =	shalt  }
0x60: {  	_ =	shalt  }
0x61: {  	_ =	shalt  }
0x62: {  	_ =	shalt  }
0x63: {  	_ =	shalt  }
0x64: {  	_ =	shalt  }
0x65: {  	_ =	shalt  }
0x66: {  	_ =	shalt  }
0x67: {  	_ =	shalt  }
0x68: {  	_ =	shalt  }
0x69: {  	_ =	shalt  }
0x6a: {  	_ =	shalt  }
0x6b: {  	_ =	shalt  }
0x6c: {  	_ =	shalt  }
0x6d: {  	_ =	shalt  }
0x6e: {  	_ =	shalt  }
0x6f: {  	_ =	shalt  }
0x70: {  	_ =	shalt  }
0x71: {  	_ =	shalt  }
0x72: {  	_ =	shalt  }
0x73: {  	_ =	shalt  }
0x74: {  	_ =	shalt  }
0x75: {  	_ =	shalt  }
0x76: {  	_ =	shalt  }
0x77: {  	_ =	shalt  }
0x78: {  	_ =	shalt  }
0x79: {  	_ =	shalt  }
0x7a: {  	_ =	shalt  }
0x7b: {  	_ =	shalt  }
0x7c: {  	_ =	shalt  }
0x7d: {  	_ =	shalt  }
0x7e: {  	_ =	shalt  }
0x7f: {  	_ =	shalt  }
0x80: {  	_ =	shalt  }
0x81: {  	_ =	shalt  }
0x82: {  	_ =	shalt  }
0x83: {  	_ =	shalt  }
0x84: {  	_ =	shalt  }
0x85: {  	_ =	shalt  }
0x86: {  	_ =	shalt  }
0x87: {  	_ =	shalt  }
.Lfunc_end0:
.L_simem_size_0:
called_computation.1_lowered:
.L_overlay_start_0:
0x88: {  	s2 =	sld [smem:$0x3FD9]  }
0x89: {  	s3 =	sld [smem:$0x3FFE];
	_ =	sdelay $0x1  }
0x8a: {  	s1 =	srdreg.scid  }
0x8b: {  	s0 =	sand.u32 $0x1, s1  }
0x8c: {  	s17 =	sshll.u32 s0, $0xA;
	s2 =	sadd.s32 s3, s2  }
0x8d: {  	s2 =	sadd.s32 s2, s17  }
0x8e: {  	[smem:$0x3FC5] =	sst s2  }
0x8f: {  	_ = 	snop  }
0x90: {  	(tm) =	ssettm $0x1  }
0x91: {  	s18 =	sld [smem:$0x3FFB];
	_ =	sdelay $0x3  }
0x92: {  	_ =	strace s18  }
0x93: {  	s2 =	sld [smem:$0x3FFC];
	_ =	sdelay $0x3  }
0x94: {  	_ =	strace s2  }
0x95: {  	s2 =	sld [smem:$0x3FFD];
	_ =	sdelay $0x3  }
0x96: {  	_ =	strace s2  }
0x97: {  	_ =	strace $0x8FFFFFFF  }
0x98: {  	s19 =	sld [smem:$0x3FDB];
	_ =	sdelay $0x1  }
0x99: {  	s20 =	simm.s32 $_scs_section_size  }
0x9a: {  	s4 =	simm.s32 $_size__tile_overlayer_lowered;
	s5 =	simm.s32 $_tile_overlayer_lowered  }
0x9b: {  	s6 =	simm.s32 $0x1BFF;
	s21 =	sshll.u32 s5, $0x1;
	s3 =	sadd.s32 s20, s19  }
0x9c: {  	s22 =	simm.s32 $0x0;
	s4 =	sshll.u32 s4, $0x1;
	s5 =	sadd.s32 s21, s3  }
0x9d: {  	[timem:s22], [sflag:s6] =	dma.local [hbm:s5], s4  }
0x9e: {  	_ =	swait.ge [sflag:s6], s4  }
0x9f: {  	s4 =	ssub.s32 $0x0, s4;
	[sflag:s6] =	ssyncset.done $0x0  }
0xa0: {  	[sflag:s6] =	ssyncadd.s32 s4;
	_ =	sdelay $0x1  }
0xa1: {  	s23 =	simm.s32 $0x1B8B  }
0xa2: {  	_ =	swait.ge [sflag:s23], $0x1  }
0xa3: {  	[sflag:s23] =	ssyncset.done $0x0  }
0xa4: {  	[sflag:s23] =	ssyncadd.s32 $0xFFFFFFFF  }
0xa5: {  	s4 =	sld [smem:$0x0]  }
0xa6: {  	s5 =	sand.u32 $0xFFFFFFFE, s1  }
0xa7: {  	p0 =	sne.s32 s1, s5  }
0xa8: {  	s5 =	sshll.u32 @p0 s5, $0xE  }
0xa9: {  	s5 =	sadd.s32 @p0 $0x11B8D, s5;
	s6 =	sshll.u32 @p0 s4, $0x11  }
0xaa: {  	s5 =	sor.u32 @p0 s6, s5  }
0xab: {  	[sflag:s5] =	ssyncadd.remote.s32 @p0 $0x1;
	_ =	sdelay $0x1  }
0xac: {  	s5 =	simm.s32 @p0 $0x1B8D  }
0xad: {  	_ =	swait.eq @p0 [sflag:s5], $0x1  }
0xae: {  	[sflag:s5] =	ssyncadd.s32 @p0 $0xFFFFFFFF  }
0xaf: {  	s6 =	sshll.u32 @!p0 s1, $0xE  }
0xb0: {  	s6 =	sor.u32 @!p0 $0x4000, s6;
	s5 =	simm.s32 @!p0 $0x1B8D  }
0xb1: {  	s4 =	sshll.u32 @!p0 s4, $0x11;
	s6 =	sadd.s32 @!p0 $0x11B8D, s6;
	_ =	swait.eq @!p0 [sflag:s5], $0x1  }
0xb2: {  	s4 =	sor.u32 @!p0 s4, s6;
	[sflag:s5] =	ssyncadd.s32 @!p0 $0xFFFFFFFF  }
0xb3: {  	s25 =	simm.s32 $0x1B8E;
	s24 =	sld [smem:$0x3FFE];
	[sflag:s4] =	ssyncadd.remote.s32 @!p0 $0x1  }
0xb4: {  	s26 =	simm.s32 $execute0_lowered;
	[smem:$0x3FD2] =	sst s25  }
0xb5: {  	s5 =	sshll.u32 s26, $0x1;
	_ =	strace $0x80000049;
	[dreg:$0x1] =	wrdreg $0xFFFFFFFF  }
0xb6: {  	s28 =	simm.s32 $_size_execute0_lowered;
	s3 =	sadd.s32 s3, s5;
	[dreg:$0x0] =	wrdreg $0x0  }
0xb7: {  	s5 =	sshll.u32 s28, $0x1;
	[dreg:$0x2] =	wrdreg s3  }
0xb8: {  	[dreg:$0x3] =	wrdreg s5  }
0xb9: {  	[dreg:$0x4] =	wrdreg $0xC0  }
0xba: {  	_ =	task [dreg:s22], $0x5FFFF  }
0xbb: {  	[dreg:$0x1] =	wrdreg $0xFFFFFFFF  }
0xbc: {  	[dreg:$0x0] =	wrdreg $0x60  }
0xbd: {  	[dreg:$0x2] =	wrdreg s24  }
0xbe: {  	[dreg:$0x3] =	wrdreg $0xA  }
0xbf: {  	_ =	task.clear_ibuf [dreg:s22], $0x4FFFF;
	_ =	strace $0x90000049  }
0xc0: {  	s29 =	simm.s32 $0xA;
	_ =	strace $0x8000004B  }
0xc1: {  	_ =	swait.ge [sflag:s29], $0x1  }
0xc2: {  	[sflag:s29] =	ssyncadd.s32 $0xFFFFFFFF  }
0xc3: {  	_ =	strace $0x9000004B  }
0xc4: {  	_ =	sfence  }
0xc5: {  	s30 =	sld [smem:$0x0];
	_ =	sdelay $0x2  }
0xc6: {  	s31 =	sshll.u32 s1, $0xD;
	s1 =	sshrl.u32 s1, $0x2  }
0xc7: {  	s4 =	sand.u32 $0x4000, s31;
	s1 =	sadd.s32 s1, s30  }
0xc8: {  	s0 =	sor.u32 s4, s0;
	s1 =	sshll.u32 s1, $0x11  }
0xc9: {  	s0 =	sor.u32 s1, s0  }
0xca: {  	s0 =	sadd.s32 $0x8F2B, s0  }
0xcb: {  	[sflag:s0] =	ssyncadd.remote.s32 $0x1  }
0xcc: {  	_ =	sfence.sel $0xFFFF  }
0xcd: {  	[dreg:$0x0] =	wrdreg $0xFFFFFFFF;
	(pc) =	sbr.abs _section_cstart, $3  }
0xce: {  	[dreg:$0x1] =	wrdreg $0xFFFFFFFF  }
0xcf: {  	_ =	task.clear_ibuf [dreg:s22], $0x2FFFF;
	_ =	strace $0x9FFFFFFF  }
0xd0: {  	(tm) =	ssettm $0x7FFFFFFF  }
0xd1: {  	_ =	shalt  }
tec
execute0_lowered:
.L_overlay_start_1:
0x0: {  	(tag) =	ssettag $0x1  }
0x1: {  	s1 =	srdreg.scid;
	s0 =	stileid.u32  }
0x2: {  	s11 =	sand.u32 $0x1, s1;
	s29 =	sshll.u32 s0, $0x8  }
0x3: {  	s13 =	sshrl.u32 s0, $0x2;
	s2 =	sshll.u32 s11, $0x7;
	s1 =	sand.u32 $0x300, s29  }
0x4: {  	s3 =	sshll.u32 s13, $0xB;
	s14 =	sor.u32 s2, s1  }
0x5: {  	s12 =	rddreg [dreg:$0x0];
	s4 =	simm.s32 $0x80;
	s3 =	sor.u32 s3, s14  }
0x6: {  	s6 =	simm.s32 $0x400;
	s2 =	simm.s32 $0x0;
	s3 =	sshrl.u32 s3, $0x3  }
0x7: {  	s5 =	simm.s32 $0x2;
	[smem:$0x7FF] =	sst s2;
	s3 =	sadd.s32 s3, s12  }
0x8: {  	s1 =	rddreg [dreg:$0x1];
	_ =	strace $0x8000004A;
	s3 =	sadd.s32 $0x9E00, s3  }
0x9: {  	[tilespmem:s2], [sflag:$0x2] =	stream.strided.gather [hbm4b:s3+s4], $0x100, s6, s4, $0x38;
	[tilespmem:$0x280] =	vst v63  }
0xa: {  	_ =	swait.ge [sflag:s5], $0x100  }
0xb: {  	s8 =	simm.s32 $0x100;
	[sflag:s5] =	ssyncset.done $0x0  }
0xc: {  	s9 =	simm.s32 $0x1;
	s7 =	sadd.s32 $0x9A00, s12;
	[sflag:s5] =	ssyncadd.s32 $0xFFFFFF00  }
0xd: {  	[tilespmem:s8], [sflag:$0x1] =	stream.indirect.gather [hbm4b:s7+s4], $0x1, s2, s4, $0xb8;
	[tilespmem:$0x280] =	vst v63  }
0xe: {  	_ =	swait.ge [sflag:s9], $0x80  }
0xf: {  	[sflag:s9] =	ssyncset.done $0x0  }
0x10: {  	s10 =	simm.s32 $0x180;
	[sflag:s9] =	ssyncadd.s32 $0xFFFFFF80  }
0x11: {  	[tilespmem:s10], [sflag:$0x1] =	stream.indirect.gather [hbm4b:s7+s4], $0x1, s4, s4, $0xb8;
	[tilespmem:$0x280] =	vst v63  }
0x12: {  	_ =	swait.ge [sflag:s9], $0x80  }
0x13: {  	[sflag:s9] =	ssyncset.done $0x0  }
0x14: {  	[sflag:s9] =	ssyncadd.s32 $0xFFFFFF80  }
0x15: {  	v0 =	vld [tilespmem:$0x100];
	_ =	sdelay $0x1  }
0x16: {  	v1 =	vld [tilespmem:$0x110];
	_ =	sdelay $0x1  }
0x17: {  	v2 =	vld [tilespmem:$0x120]  }
0x18: {  	v0 =	vadd.f32 $0.0e+00, v0  }
0x19: {  	v3 =	vld [tilespmem:$0x130]  }
0x1a: {  	v0 =	vadd.f32 v1, v0  }
0x1b: {  	v52 =	vld [tilespmem:$0x140]  }
0x1c: {  	v0 =	vadd.f32 v2, v0  }
0x1d: {  	v53 =	vld [tilespmem:$0x150]  }
0x1e: {  	v0 =	vadd.f32 v3, v0  }
0x1f: {  	v54 =	vld [tilespmem:$0x160]  }
0x20: {  	v0 =	vadd.f32 v52, v0  }
0x21: {  	v55 =	vld [tilespmem:$0x170]  }
0x22: {  	v0 =	vadd.f32 v53, v0  }
0x23: {  	v56 =	vld [tilespmem:$0x180]  }
0x24: {  	v0 =	vadd.f32 v54, v0  }
0x25: {  	v57 =	vld [tilespmem:$0x190]  }
0x26: {  	v0 =	vadd.f32 v55, v0  }
0x27: {  	v58 =	vld [tilespmem:$0x1A0]  }
0x28: {  	v0 =	vadd.f32 v56, v0  }
0x29: {  	v59 =	vld [tilespmem:$0x1B0]  }
0x2a: {  	v0 =	vadd.f32 v57, v0  }
0x2b: {  	v60 =	vld [tilespmem:$0x1C0]  }
0x2c: {  	v0 =	vadd.f32 v58, v0  }
0x2d: {  	v61 =	vld [tilespmem:$0x1D0]  }
0x2e: {  	v0 =	vadd.f32 v59, v0  }
0x2f: {  	v62 =	vld [tilespmem:$0x1E0]  }
0x30: {  	v0 =	vadd.f32 v60, v0  }
0x31: {  	v63 =	vld [tilespmem:$0x1F0]  }
0x32: {  	s13 =	sshll.u32 s13, $0xA;
	s11 =	ssub.s32 $0x2, s11;
	v0 =	vadd.f32 v61, v0  }
0x33: {  	s30 =	sshrl.u32 s11, $0x1;
	s13 =	sor.u32 s13, s14  }
0x34: {  	s31 =	ssub.s32 s11, s30;
	s13 =	sshrl.u32 s13, $0x3;
	v0 =	vadd.f32 v62, v0  }
0x35: {  	s12 =	sadd.s32 s13, s12;
	s13 =	smax.u32 s31, $0x1  }
0x36: {  	p0 =	sne.s32 s13, $0x1;
	v0 =	vadd.f32 v63, v0  }
.Ltmp0:
0x37: {  	_ = 	snop;
	(pc) =	sbr.rel @!p0 .LBB2_2-.Ltmp0, $4  }
0x38: {  	s11 =	sadd.s32 $0xA200, s12;
	s12 =	simm.s32 $0x200;
	[tilespmem:$0x200] =	vst v0  }
0x39: {  	[hbm4b:s11+s2] =	stream.linear.scatter [tilespmem:s12], [sflag:$0x2], $0x80, $0x38;
	[tilespmem:$0x280] =	vst v63  }
0x3a: {  	_ =	swait.ge [sflag:s5], $0x80  }
0x3b: {  	s13 =	sadd.s32 $0xFFFFFFFF, s13;
	[sflag:s5] =	ssyncset.done $0x0  }
.LBB2_1:
0x3c: {  	p0 =	sne.s32 s13, $0x1;
	s13 =	sadd.s32 $0xFFFFFFFF, s13;
	[sflag:s5] =	ssyncadd.s32 $0xFFFFFF80  }
0x3d: {  	[tilespmem:s2], [sflag:$0x2] =	stream.strided.gather [hbm4b:s3+s4], $0x100, s6, s4, $0x38;
	[tilespmem:$0x280] =	vst v63  }
0x3e: {  	_ =	swait.ge [sflag:s5], $0x100  }
0x3f: {  	[sflag:s5] =	ssyncset.done $0x0  }
0x40: {  	[sflag:s5] =	ssyncadd.s32 $0xFFFFFF00  }
0x41: {  	[tilespmem:s8], [sflag:$0x1] =	stream.indirect.gather [hbm4b:s7+s4], $0x1, s2, s4, $0xb8;
	[tilespmem:$0x280] =	vst v63  }
0x42: {  	_ =	swait.ge [sflag:s9], $0x80  }
0x43: {  	[sflag:s9] =	ssyncset.done $0x0  }
0x44: {  	[sflag:s9] =	ssyncadd.s32 $0xFFFFFF80  }
0x45: {  	[tilespmem:s10], [sflag:$0x1] =	stream.indirect.gather [hbm4b:s7+s4], $0x1, s4, s4, $0xb8;
	[tilespmem:$0x280] =	vst v63  }
0x46: {  	_ =	swait.ge [sflag:s9], $0x80  }
0x47: {  	[sflag:s9] =	ssyncset.done $0x0  }
0x48: {  	[sflag:s9] =	ssyncadd.s32 $0xFFFFFF80  }
0x49: {  	v0 =	vld [tilespmem:$0x100];
	_ =	sdelay $0x1  }
0x4a: {  	v1 =	vld [tilespmem:$0x110];
	_ =	sdelay $0x1  }
0x4b: {  	v2 =	vld [tilespmem:$0x120]  }
0x4c: {  	v0 =	vadd.f32 $0.0e+00, v0  }
0x4d: {  	v3 =	vld [tilespmem:$0x130]  }
0x4e: {  	v0 =	vadd.f32 v1, v0  }
0x4f: {  	v1 =	vld [tilespmem:$0x140]  }
0x50: {  	v0 =	vadd.f32 v2, v0  }
0x51: {  	v2 =	vld [tilespmem:$0x150]  }
0x52: {  	v0 =	vadd.f32 v3, v0  }
0x53: {  	v3 =	vld [tilespmem:$0x160]  }
0x54: {  	v0 =	vadd.f32 v1, v0  }
0x55: {  	v1 =	vld [tilespmem:$0x170]  }
0x56: {  	v0 =	vadd.f32 v2, v0  }
0x57: {  	v2 =	vld [tilespmem:$0x180]  }
0x58: {  	v0 =	vadd.f32 v3, v0  }
0x59: {  	v3 =	vld [tilespmem:$0x190]  }
0x5a: {  	v0 =	vadd.f32 v1, v0  }
0x5b: {  	v1 =	vld [tilespmem:$0x1A0]  }
0x5c: {  	v0 =	vadd.f32 v2, v0  }
0x5d: {  	v2 =	vld [tilespmem:$0x1B0]  }
0x5e: {  	v0 =	vadd.f32 v3, v0  }
0x5f: {  	v3 =	vld [tilespmem:$0x1C0]  }
0x60: {  	v0 =	vadd.f32 v1, v0  }
0x61: {  	v1 =	vld [tilespmem:$0x1D0]  }
0x62: {  	v0 =	vadd.f32 v2, v0  }
0x63: {  	v2 =	vld [tilespmem:$0x1E0]  }
0x64: {  	v0 =	vadd.f32 v3, v0  }
0x65: {  	v3 =	vld [tilespmem:$0x1F0]  }
0x66: {  	v0 =	vadd.f32 v1, v0;
	_ =	sdelay $0x1  }
0x67: {  	v0 =	vadd.f32 v2, v0;
	_ =	sdelay $0x1  }
0x68: {  	v0 =	vadd.f32 v3, v0  }
.Ltmp1:
0x69: {  	(pc) =	sbr.rel @p0 .LBB2_1-.Ltmp1, $4  }
0x6a: {  	[tilespmem:$0x200] =	vst v0  }
0x6b: {  	[hbm4b:s11+s2] =	stream.linear.scatter [tilespmem:s12], [sflag:$0x2], $0x80, $0x38;
	[tilespmem:$0x280] =	vst v63  }
0x6c: {  	_ =	swait.ge [sflag:s5], $0x80  }
0x6d: {  	[sflag:s5] =	ssyncset.done $0x0  }
.LBB2_2:
0x6e: {  	[sflag:s5] =	ssyncadd.s32 $0xFFFFFF80  }
0x6f: {  	_ =	sfence.sel $0x180000  }
0x70: {  	[bflag:$0x0] =	sbarrier.arrive $0xFFFF  }
0x71: {  	p0 =	sne.s32 s0, $0x0;
	_ =	strace $0x9000004A  }
0x72: {  	s0 =	sadd.s32 @!p0 $0x100000, s1;
	[bflag:$0x2] =	sbarrier.arrive $0xFFFF  }
0x73: {  	[sflag:s0] =	ssyncadd.tile.s32 @!p0 $0x1;
	_ =	shalt  }
.Lfunc_end2:
_tile_overlayer_lowered:
.L_overlay_start_2:
0x74: {  	(tag) =	ssettag $0x2  }
0x75: {  	s0 =	rddreg [dreg:$0x0];
	s2 =	stileid.u32  }
0x76: {  	s1 =	rddreg [dreg:$0x1];
	p0 =	sne.s32 s2, $0x0  }
0x77: {  	s3 =	rddreg [dreg:$0x2];
	[bflag:$0x3] =	sbarrier.arrive $0xFFFF;
	s2 =	simm.s32 @!p0 $0x1C02  }
0x78: {  	[timem:s3], [sflag:s2] =	dma.local @!p0 [hbm:s0], s1  }
0x79: {  	s0 =	simm.s32 @!p0 $0x2  }
0x7a: {  	_ =	swait.ge @!p0 [sflag:s0], s1  }
0x7b: {  	s1 =	ssub.s32 @!p0 $0x0, s1;
	[sflag:s0] =	ssyncset.done @!p0 $0x0  }
0x7c: {  	[sflag:s0] =	ssyncadd.s32 @!p0 s1  }
0x7d: {  	[bflag:$0x3] =	sbarrier.arrive $0xFFFF  }
0x7e: {  	_ =	shalt  }

</sc_bundles>
